<compile_context>
chip_gen: v7x
topology: tpu7x:2x2x1
jax: 0.10.2.dev20260603
libtpu: 0.0.44.dev20260713+nightly
codegen_flags: <defaults>
</compile_context>

<pallas_src>
import functools

import jax
import jax.numpy as jnp
from jax import lax
from jax.experimental import pallas as pl
from jax.experimental.pallas import tpu as pltpu
from jax.experimental.pallas import tpu_sc as plsc

BATCH = 16384
FIELDS = 26
DIM = 32
NUM_EMB = 1000000
NUM_ROWS = BATCH * FIELDS
NC = 2
NS = 16
NW = NC * NS
ROWS_PER_W = NUM_ROWS // NW
SUP = 512
NSUP = ROWS_PER_W // SUP

REG = 262144
BC = 8192
NBLK = REG // BC
LASTBLK = (NUM_EMB - 1) // BC
PACKED_ROWS = 4 * REG


def _pack_body(i0, i1, i2, i3, out_ref):
    s = jnp.concatenate([i0[...], i1[...], i2[...], i3[...]], axis=0)
    out_ref[...] = s.T


def _pack_in_spec(s):
    return pl.BlockSpec((DIM, BC), lambda j, s=s: (0, jnp.minimum(s * NBLK + j, LASTBLK)))


def _pack_table(embd_t):
    return pl.pallas_call(
        _pack_body,
        grid=(NBLK,),
        in_specs=[_pack_in_spec(s) for s in range(4)],
        out_specs=pl.BlockSpec((BC, 128), lambda j: (j, 0)),
        out_shape=jax.ShapeDtypeStruct((REG, 128), jnp.float32),
    )(embd_t, embd_t, embd_t, embd_t)


_mesh = plsc.VectorSubcoreMesh(core_axis_name="c", subcore_axis_name="s")


OUT_WORDS = NUM_ROWS * DIM
TW = 4096


@functools.partial(
    pl.kernel,
    mesh=_mesh,
    compiler_params=pltpu.CompilerParams(use_tc_tiling_on_sc=False,
                                         needs_layout_passes=False),
    out_type=jax.ShapeDtypeStruct((OUT_WORDS,), jnp.float32),
    scratch_types=[
        pltpu.VMEM((ROWS_PER_W,), jnp.int32),
        pltpu.VMEM((SUP, DIM), jnp.float32),
        pltpu.VMEM((SUP, DIM), jnp.float32),
        pltpu.VMEM((4 * TW,), jnp.float32),
        pltpu.VMEM((4 * TW,), jnp.float32),
        pltpu.SemaphoreType.DMA,
        pltpu.SemaphoreType.DMA,
        pltpu.SemaphoreType.DMA,
        pltpu.SemaphoreType.DMA,
    ],
)
def _gather_kernel(idx_hbm, table_hbm, out_hbm, idx_v, buf_a, buf_b,
                   tbuf_a, tbuf_b, ga, gb, wa, wb):
    wid = lax.axis_index("s") * NC + lax.axis_index("c")
    base = wid * ROWS_PER_W
    pltpu.sync_copy(idx_hbm.at[wid], idx_v)
    iota = lax.iota(jnp.int32, 16)

    def fire_gathers(s, buf, sem):
        pltpu.async_copy(table_hbm.at[idx_v.at[pl.ds(s * SUP, SUP)]],
                         buf, sem)

    def drain_gathers(s, buf, sem):
        pltpu.make_async_copy(table_hbm.at[idx_v.at[pl.ds(s * SUP, SUP)]],
                              buf, sem).wait()

    def out_off(s, t):
        p0 = base + s * SUP
        f = p0 >> 14
        blk0 = (p0 & 16383) >> 7
        return ((f * 4 + t) * 128 + blk0) * 1024

    perm0 = (iota >> 3) * 4096 + (iota & 7) * 128
    perm1 = perm0 + 8192

    def transpose_chunk(buf, tbuf):
        def tq(q, carry):
            p0 = q * 8
            off0 = (p0 >> 7) * 1024 + (p0 & 127)
            s0v = perm0 + off0
            s1v = perm1 + off0
            for u in range(8):
                v0 = buf[p0 + u, pl.ds(0, 16)]
                plsc.store_scatter(tbuf, [s0v + u], v0)
                v1 = buf[p0 + u, pl.ds(16, 16)]
                plsc.store_scatter(tbuf, [s1v + u], v1)
            return carry

        lax.fori_loop(0, SUP // 8, tq, 0)

    def fire_write(s, tbuf, sem):
        for t in range(4):
            pltpu.async_copy(tbuf.at[pl.ds(t * TW, TW)],
                             out_hbm.at[pl.ds(out_off(s, t), TW)], sem)

    def drain_write(s, tbuf, sem):
        for t in range(4):
            pltpu.make_async_copy(tbuf.at[pl.ds(t * TW, TW)],
                                  out_hbm.at[pl.ds(out_off(s, t), TW)],
                                  sem).wait()

    fire_gathers(0, buf_a, ga)

    def body(i, carry):
        s0 = 2 * i
        drain_gathers(s0, buf_a, ga)
        fire_gathers(s0 + 1, buf_b, gb)
        transpose_chunk(buf_a, tbuf_a)

        @pl.when(i > 0)
        def _():
            drain_write(s0 - 1, tbuf_b, wb)

        fire_write(s0, tbuf_a, wa)
        drain_gathers(s0 + 1, buf_b, gb)

        @pl.when(i < NSUP // 2 - 1)
        def _():
            fire_gathers(s0 + 2, buf_a, ga)

        transpose_chunk(buf_b, tbuf_b)
        drain_write(s0, tbuf_a, wa)
        fire_write(s0 + 1, tbuf_b, wb)
        return carry

    lax.fori_loop(0, NSUP // 2, body, 0)
    drain_write(NSUP - 1, tbuf_b, wb)


def kernel(x, embd):
    table2 = _pack_table(embd.T)
    table = table2.reshape(PACKED_ROWS, DIM)
    remapped = ((x & (REG - 1)) << 2) | (x >> 18)
    idx = remapped.T.reshape(NW, ROWS_PER_W)
    out1d = _gather_kernel(idx, table)
    a = out1d.reshape(FIELDS, 4, 128, 8, 128)
    return a.transpose(2, 4, 0, 1, 3).reshape(BATCH, FIELDS, DIM)

# --- scband reference (transcript-rebuilt; emitter-appended) ---
"""Pipeline reference for scband-toy-embedding-13271448944664 (READ-ONLY COPY).

The authoritative reference and input builder live on the scoring server;
editing this copy changes nothing except your own understanding.
"""

import jax, jax.numpy as jnp
import numpy as np

NUM_EMBD = 1000000
EMBD_DIM = 32
BATCH = 16384
FIELDS = 26


def setup_inputs(seed: int = 0) -> dict:
    key = jax.random.key(seed)
    k1, k2 = jax.random.split(key)
    x = jax.random.randint(k1, (BATCH, FIELDS), 0, NUM_EMBD, dtype=jnp.int32)
    # trunc_normal_ default in torch: mean=0, std=1, truncated to [-2, 2]
    embd = jax.random.truncated_normal(k2, -2.0, 2.0, (NUM_EMBD, EMBD_DIM), dtype=jnp.float32)
    return {"x": x, "embd": embd}


def reference(x, embd):
    # forward: self.embd[x] -> gather rows of the embedding table
    return embd[x]

if __name__ == "__main__":
    import jax
    _d = setup_inputs()
    print(jax.jit(kernel)(*tuple(_d.values())))

</pallas_src>

<mosaic_0001>
#map = affine_map<(d0, d1) -> (0, 0)>
#map1 = affine_map<(d0, d1) -> (0)>
module attributes {stable_mosaic.version = 14 : i64} {
  func.func @_gather_kernel(%arg0: i32, %arg1: i32, %arg2: memref<32x13312xi32, #tpu.memory_space<hbm>>, %arg3: memref<1048576x32xf32, #tpu.memory_space<hbm>>, %arg4: memref<13631488xf32, #tpu.memory_space<hbm>>, %arg5: memref<13312xi32, #tpu.memory_space<vmem>>, %arg6: memref<512x32xf32, #tpu.memory_space<vmem>>, %arg7: memref<512x32xf32, #tpu.memory_space<vmem>>, %arg8: memref<16384xf32, #tpu.memory_space<vmem>>, %arg9: memref<16384xf32, #tpu.memory_space<vmem>>, %arg10: memref<!tpu.dma_semaphore, #tpu.memory_space<semaphore_mem>>, %arg11: memref<!tpu.dma_semaphore, #tpu.memory_space<semaphore_mem>>, %arg12: memref<!tpu.dma_semaphore, #tpu.memory_space<semaphore_mem>>, %arg13: memref<!tpu.dma_semaphore, #tpu.memory_space<semaphore_mem>>) attributes {dimension_semantics = [#tpu.dimension_semantics<core_parallel>, #tpu.dimension_semantics<subcore_parallel>], iteration_bounds = array<i64: 2, 16>, scalar_prefetch = 0 : i64, scratch_operands = 9 : i64, tpu.core_type = #tpu.core_type<sc_vector_subcore>, window_params = [{transform_indices = #map}, {transform_indices = #map}, {transform_indices = #map1}]} {
    %mul3A = arith.constant 2 : i32
    %mul3A_0 = arith.muli %arg1, %mul3A : i32
    %add3A = arith.addi %mul3A_0, %arg0 : i32
    %mul3A_1 = arith.constant 13312 : i32
    %mul3A_2 = arith.muli %add3A, %mul3A_1 : i32
    "tpu.region"() ({
      %run_scoped3A = tpu.sem_alloc : memref<!tpu.dma_semaphore, #tpu.memory_space<semaphore_mem>>
      %dma_start3A_117 = arith.constant 0 : i32
      %dma_start3A_118 = tpu.memref_slice %arg2[%add3A, %dma_start3A_117] : memref<32x13312xi32, #tpu.memory_space<hbm>> -> memref<1x13312xi32, #tpu.memory_space<hbm>>
      %dma_start3A_119 = tpu.memref_squeeze %dma_start3A_118 : memref<1x13312xi32, #tpu.memory_space<hbm>> -> memref<13312xi32, #tpu.memory_space<hbm>>
      %dma_start3A_120 = arith.constant 0 : i32
      %dma_start3A_121 = tpu.memref_slice %arg2[%add3A, %dma_start3A_120] : memref<32x13312xi32, #tpu.memory_space<hbm>> -> memref<1x13312xi32, #tpu.memory_space<hbm>>
      %dma_start3A_122 = tpu.memref_squeeze %dma_start3A_121 : memref<1x13312xi32, #tpu.memory_space<hbm>> -> memref<13312xi32, #tpu.memory_space<hbm>>
      tpu.enqueue_dma source(%dma_start3A_122 : memref<13312xi32, #tpu.memory_space<hbm>>) target(%arg5 : memref<13312xi32, #tpu.memory_space<vmem>>) target_semaphore(%run_scoped3A : memref<!tpu.dma_semaphore, #tpu.memory_space<semaphore_mem>>)
      %dma_wait3A_123 = arith.constant 0 : i32
      %dma_wait3A_124 = tpu.memref_slice %arg2[%add3A, %dma_wait3A_123] : memref<32x13312xi32, #tpu.memory_space<hbm>> -> memref<1x13312xi32, #tpu.memory_space<hbm>>
      %dma_wait3A_125 = tpu.memref_squeeze %dma_wait3A_124 : memref<1x13312xi32, #tpu.memory_space<hbm>> -> memref<13312xi32, #tpu.memory_space<hbm>>
      %dma_wait3A_126 = arith.constant 0 : i32
      %dma_wait3A_127 = tpu.memref_slice %arg2[%add3A, %dma_wait3A_126] : memref<32x13312xi32, #tpu.memory_space<hbm>> -> memref<1x13312xi32, #tpu.memory_space<hbm>>
      %dma_wait3A_128 = tpu.memref_squeeze %dma_wait3A_127 : memref<1x13312xi32, #tpu.memory_space<hbm>> -> memref<13312xi32, #tpu.memory_space<hbm>>
      tpu.wait_dma2 semaphore(%run_scoped3A : memref<!tpu.dma_semaphore, #tpu.memory_space<semaphore_mem>>) src(%dma_wait3A_128 : memref<13312xi32, #tpu.memory_space<hbm>>) dst(%arg5 : memref<13312xi32, #tpu.memory_space<vmem>>)
      tpu.yield
    }) : () -> ()
    %iota3A = tpu.iota {dimensions = array<i32: 0>} : vector<16xi32>
    %shift_right_arithmetic3A = arith.constant 3 : i32
    %shift_right_arithmetic3A_3 = vector.broadcast %shift_right_arithmetic3A : i32 to vector<16xi32>
    %shift_right_arithmetic3A_4 = arith.shrsi %iota3A, %shift_right_arithmetic3A_3 : vector<16xi32>
    %mul3A_5 = arith.constant 4096 : i32
    %mul3A_6 = vector.broadcast %mul3A_5 : i32 to vector<16xi32>
    %mul3A_7 = arith.muli %shift_right_arithmetic3A_4, %mul3A_6 : vector<16xi32>
    %and3A = arith.constant 7 : i32
    %and3A_8 = vector.broadcast %and3A : i32 to vector<16xi32>
    %and3A_9 = arith.andi %iota3A, %and3A_8 : vector<16xi32>
    %mul3A_10 = arith.constant 128 : i32
    %mul3A_11 = vector.broadcast %mul3A_10 : i32 to vector<16xi32>
    %mul3A_12 = arith.muli %and3A_9, %mul3A_11 : vector<16xi32>
    %add3A_13 = arith.addi %mul3A_7, %mul3A_12 : vector<16xi32>
    %add3A_14 = arith.constant 8192 : i32
    %add3A_15 = vector.broadcast %add3A_14 : i32 to vector<16xi32>
    %add3A_16 = arith.addi %add3A_13, %add3A_15 : vector<16xi32>
    %dma_start3A = arith.constant 0 : i32
    %dma_start3A_17 = tpu.memref_slice %arg5[%dma_start3A] : memref<13312xi32, #tpu.memory_space<vmem>> -> memref<512xi32, #tpu.memory_space<vmem>>
    %dma_start3A_18 = arith.constant 0 : i32
    %dma_start3A_19 = arith.constant 0 : i32
    %dma_start3A_20 = tpu.memref_slice %arg3[%dma_start3A_18, %dma_start3A_19] : memref<1048576x32xf32, #tpu.memory_space<hbm>> -> memref<1048576x32xf32, #tpu.memory_space<hbm>>
    tpu.enqueue_indirect_dma source(%dma_start3A_20 : memref<1048576x32xf32, #tpu.memory_space<hbm>>) target(%arg6 : memref<512x32xf32, #tpu.memory_space<vmem>>) offsets(%dma_start3A_17 : memref<512xi32, #tpu.memory_space<vmem>>) semaphore(%arg10 : memref<!tpu.dma_semaphore, #tpu.memory_space<semaphore_mem>>)
    %scan3A = arith.constant 0 : i32
    %scan3A_21 = arith.constant 0 : i32
    %scan3A_22 = arith.constant 13 : i32
    %scan3A_23 = arith.addi %scan3A_21, %scan3A_22 : i32
    %scan3A_24 = arith.constant 1 : i32
    scf.for %scan3A_117 = %scan3A_21 to %scan3A_23 step %scan3A_24  : i32 {
      %mul3A_118 = arith.constant 2 : i32
      %mul3A_119 = arith.muli %mul3A_118, %scan3A_117 : i32
      %mul3A_120 = arith.constant 512 : i32
      %mul3A_121 = arith.muli %mul3A_119, %mul3A_120 : i32
      %dma_wait3A_122 = tpu.memref_slice %arg5[%mul3A_121] : memref<13312xi32, #tpu.memory_space<vmem>> -> memref<512xi32, #tpu.memory_space<vmem>>
      %dma_wait3A_123 = arith.constant 0 : i32
      %dma_wait3A_124 = arith.constant 0 : i32
      %dma_wait3A_125 = tpu.memref_slice %arg3[%dma_wait3A_123, %dma_wait3A_124] : memref<1048576x32xf32, #tpu.memory_space<hbm>> -> memref<1048576x32xf32, #tpu.memory_space<hbm>>
      tpu.wait_indirect_dma semaphore(%arg10 : memref<!tpu.dma_semaphore, #tpu.memory_space<semaphore_mem>>) src(%dma_wait3A_125 : memref<1048576x32xf32, #tpu.memory_space<hbm>>) dst(%arg6 : memref<512x32xf32, #tpu.memory_space<vmem>>)
      %add3A_126 = arith.constant 1 : i32
      %add3A_127 = arith.addi %mul3A_119, %add3A_126 : i32
      %mul3A_128 = arith.constant 512 : i32
      %mul3A_129 = arith.muli %add3A_127, %mul3A_128 : i32
      %dma_start3A_130 = tpu.memref_slice %arg5[%mul3A_129] : memref<13312xi32, #tpu.memory_space<vmem>> -> memref<512xi32, #tpu.memory_space<vmem>>
      %dma_start3A_131 = arith.constant 0 : i32
      %dma_start3A_132 = arith.constant 0 : i32
      %dma_start3A_133 = tpu.memref_slice %arg3[%dma_start3A_131, %dma_start3A_132] : memref<1048576x32xf32, #tpu.memory_space<hbm>> -> memref<1048576x32xf32, #tpu.memory_space<hbm>>
      tpu.enqueue_indirect_dma source(%dma_start3A_133 : memref<1048576x32xf32, #tpu.memory_space<hbm>>) target(%arg7 : memref<512x32xf32, #tpu.memory_space<vmem>>) offsets(%dma_start3A_130 : memref<512xi32, #tpu.memory_space<vmem>>) semaphore(%arg11 : memref<!tpu.dma_semaphore, #tpu.memory_space<semaphore_mem>>)
      %scan3A_134 = arith.constant 0 : i32
      %scan3A_135 = arith.constant 0 : i32
      %scan3A_136 = arith.constant 64 : i32
      %scan3A_137 = arith.addi %scan3A_135, %scan3A_136 : i32
      %scan3A_138 = arith.constant 1 : i32
      scf.for %scan3A_450 = %scan3A_135 to %scan3A_137 step %scan3A_138  : i32 {
        %mul3A_451 = arith.constant 8 : i32
        %mul3A_452 = arith.muli %scan3A_450, %mul3A_451 : i32
        %shift_right_arithmetic3A_453 = arith.constant 7 : i32
        %shift_right_arithmetic3A_454 = arith.shrsi %mul3A_452, %shift_right_arithmetic3A_453 : i32
        %mul3A_455 = arith.constant 1024 : i32
        %mul3A_456 = arith.muli %shift_right_arithmetic3A_454, %mul3A_455 : i32
        %and3A_457 = arith.constant 127 : i32
        %and3A_458 = arith.andi %mul3A_452, %and3A_457 : i32
        %add3A_459 = arith.addi %mul3A_456, %and3A_458 : i32
        %add3A_460 = vector.broadcast %add3A_459 : i32 to vector<16xi32>
        %add3A_461 = arith.addi %add3A_13, %add3A_460 : vector<16xi32>
        %add3A_462 = vector.broadcast %add3A_459 : i32 to vector<16xi32>
        %add3A_463 = arith.addi %add3A_16, %add3A_462 : vector<16xi32>
        %add3A_464 = arith.constant 0 : i32
        %add3A_465 = arith.addi %mul3A_452, %add3A_464 : i32
        %get3A = arith.index_cast %add3A_465 : i32 to index
        %get3A_466 = arith.constant 0 : index
        %get3A_467 = tpu.vector_load %arg6[%get3A, %get3A_466] {strides = array<i32>} : memref<512x32xf32, #tpu.memory_space<vmem>>, vector<16xf32>,
        %add3A_468 = arith.constant 0 : i32
        %add3A_469 = vector.broadcast %add3A_468 : i32 to vector<16xi32>
        %add3A_470 = arith.addi %add3A_461, %add3A_469 : vector<16xi32>
        tpu.vector_store_idx %arg8[%add3A_470], %get3A_467 : memref<16384xf32, #tpu.memory_space<vmem>>[vector<16xi32>], vector<16xf32>,
        %add3A_471 = arith.constant 0 : i32
        %add3A_472 = arith.addi %mul3A_452, %add3A_471 : i32
        %get3A_473 = arith.index_cast %add3A_472 : i32 to index
        %get3A_474 = arith.constant 16 : index
        %get3A_475 = tpu.vector_load %arg6[%get3A_473, %get3A_474] {strides = array<i32>} : memref<512x32xf32, #tpu.memory_space<vmem>>, vector<16xf32>,
        %add3A_476 = arith.constant 0 : i32
        %add3A_477 = vector.broadcast %add3A_476 : i32 to vector<16xi32>
        %add3A_478 = arith.addi %add3A_463, %add3A_477 : vector<16xi32>
        tpu.vector_store_idx %arg8[%add3A_478], %get3A_475 : memref<16384xf32, #tpu.memory_space<vmem>>[vector<16xi32>], vector<16xf32>,
        %add3A_479 = arith.constant 1 : i32
        %add3A_480 = arith.addi %mul3A_452, %add3A_479 : i32
        %get3A_481 = arith.index_cast %add3A_480 : i32 to index
        %get3A_482 = arith.constant 0 : index
        %get3A_483 = tpu.vector_load %arg6[%get3A_481, %get3A_482] {strides = array<i32>} : memref<512x32xf32, #tpu.memory_space<vmem>>, vector<16xf32>,
        %add3A_484 = arith.constant 1 : i32
        %add3A_485 = vector.broadcast %add3A_484 : i32 to vector<16xi32>
        %add3A_486 = arith.addi %add3A_461, %add3A_485 : vector<16xi32>
        tpu.vector_store_idx %arg8[%add3A_486], %get3A_483 : memref<16384xf32, #tpu.memory_space<vmem>>[vector<16xi32>], vector<16xf32>,
        %add3A_487 = arith.constant 1 : i32
        %add3A_488 = arith.addi %mul3A_452, %add3A_487 : i32
        %get3A_489 = arith.index_cast %add3A_488 : i32 to index
        %get3A_490 = arith.constant 16 : index
        %get3A_491 = tpu.vector_load %arg6[%get3A_489, %get3A_490] {strides = array<i32>} : memref<512x32xf32, #tpu.memory_space<vmem>>, vector<16xf32>,
        %add3A_492 = arith.constant 1 : i32
        %add3A_493 = vector.broadcast %add3A_492 : i32 to vector<16xi32>
        %add3A_494 = arith.addi %add3A_463, %add3A_493 : vector<16xi32>
        tpu.vector_store_idx %arg8[%add3A_494], %get3A_491 : memref<16384xf32, #tpu.memory_space<vmem>>[vector<16xi32>], vector<16xf32>,
        %add3A_495 = arith.constant 2 : i32
        %add3A_496 = arith.addi %mul3A_452, %add3A_495 : i32
        %get3A_497 = arith.index_cast %add3A_496 : i32 to index
        %get3A_498 = arith.constant 0 : index
        %get3A_499 = tpu.vector_load %arg6[%get3A_497, %get3A_498] {strides = array<i32>} : memref<512x32xf32, #tpu.memory_space<vmem>>, vector<16xf32>,
        %add3A_500 = arith.constant 2 : i32
        %add3A_501 = vector.broadcast %add3A_500 : i32 to vector<16xi32>
        %add3A_502 = arith.addi %add3A_461, %add3A_501 : vector<16xi32>
        tpu.vector_store_idx %arg8[%add3A_502], %get3A_499 : memref<16384xf32, #tpu.memory_space<vmem>>[vector<16xi32>], vector<16xf32>,
        %add3A_503 = arith.constant 2 : i32
        %add3A_504 = arith.addi %mul3A_452, %add3A_503 : i32
        %get3A_505 = arith.index_cast %add3A_504 : i32 to index
        %get3A_506 = arith.constant 16 : index
        %get3A_507 = tpu.vector_load %arg6[%get3A_505, %get3A_506] {strides = array<i32>} : memref<512x32xf32, #tpu.memory_space<vmem>>, vector<16xf32>,
        %add3A_508 = arith.constant 2 : i32
        %add3A_509 = vector.broadcast %add3A_508 : i32 to vector<16xi32>
        %add3A_510 = arith.addi %add3A_463, %add3A_509 : vector<16xi32>
        tpu.vector_store_idx %arg8[%add3A_510], %get3A_507 : memref<16384xf32, #tpu.memory_space<vmem>>[vector<16xi32>], vector<16xf32>,
        %add3A_511 = arith.constant 3 : i32
        %add3A_512 = arith.addi %mul3A_452, %add3A_511 : i32
        %get3A_513 = arith.index_cast %add3A_512 : i32 to index
        %get3A_514 = arith.constant 0 : index
        %get3A_515 = tpu.vector_load %arg6[%get3A_513, %get3A_514] {strides = array<i32>} : memref<512x32xf32, #tpu.memory_space<vmem>>, vector<16xf32>,
        %add3A_516 = arith.constant 3 : i32
        %add3A_517 = vector.broadcast %add3A_516 : i32 to vector<16xi32>
        %add3A_518 = arith.addi %add3A_461, %add3A_517 : vector<16xi32>
        tpu.vector_store_idx %arg8[%add3A_518], %get3A_515 : memref<16384xf32, #tpu.memory_space<vmem>>[vector<16xi32>], vector<16xf32>,
        %add3A_519 = arith.constant 3 : i32
        %add3A_520 = arith.addi %mul3A_452, %add3A_519 : i32
        %get3A_521 = arith.index_cast %add3A_520 : i32 to index
        %get3A_522 = arith.constant 16 : index
        %get3A_523 = tpu.vector_load %arg6[%get3A_521, %get3A_522] {strides = array<i32>} : memref<512x32xf32, #tpu.memory_space<vmem>>, vector<16xf32>,
        %add3A_524 = arith.constant 3 : i32
        %add3A_525 = vector.broadcast %add3A_524 : i32 to vector<16xi32>
        %add3A_526 = arith.addi %add3A_463, %add3A_525 : vector<16xi32>
        tpu.vector_store_idx %arg8[%add3A_526], %get3A_523 : memref<16384xf32, #tpu.memory_space<vmem>>[vector<16xi32>], vector<16xf32>,
        %add3A_527 = arith.constant 4 : i32
        %add3A_528 = arith.addi %mul3A_452, %add3A_527 : i32
        %get3A_529 = arith.index_cast %add3A_528 : i32 to index
        %get3A_530 = arith.constant 0 : index
        %get3A_531 = tpu.vector_load %arg6[%get3A_529, %get3A_530] {strides = array<i32>} : memref<512x32xf32, #tpu.memory_space<vmem>>, vector<16xf32>,
        %add3A_532 = arith.constant 4 : i32
        %add3A_533 = vector.broadcast %add3A_532 : i32 to vector<16xi32>
        %add3A_534 = arith.addi %add3A_461, %add3A_533 : vector<16xi32>
        tpu.vector_store_idx %arg8[%add3A_534], %get3A_531 : memref<16384xf32, #tpu.memory_space<vmem>>[vector<16xi32>], vector<16xf32>,
        %add3A_535 = arith.constant 4 : i32
        %add3A_536 = arith.addi %mul3A_452, %add3A_535 : i32
        %get3A_537 = arith.index_cast %add3A_536 : i32 to index
        %get3A_538 = arith.constant 16 : index
        %get3A_539 = tpu.vector_load %arg6[%get3A_537, %get3A_538] {strides = array<i32>} : memref<512x32xf32, #tpu.memory_space<vmem>>, vector<16xf32>,
        %add3A_540 = arith.constant 4 : i32
        %add3A_541 = vector.broadcast %add3A_540 : i32 to vector<16xi32>
        %add3A_542 = arith.addi %add3A_463, %add3A_541 : vector<16xi32>
        tpu.vector_store_idx %arg8[%add3A_542], %get3A_539 : memref<16384xf32, #tpu.memory_space<vmem>>[vector<16xi32>], vector<16xf32>,
        %add3A_543 = arith.constant 5 : i32
        %add3A_544 = arith.addi %mul3A_452, %add3A_543 : i32
        %get3A_545 = arith.index_cast %add3A_544 : i32 to index
        %get3A_546 = arith.constant 0 : index
        %get3A_547 = tpu.vector_load %arg6[%get3A_545, %get3A_546] {strides = array<i32>} : memref<512x32xf32, #tpu.memory_space<vmem>>, vector<16xf32>,
        %add3A_548 = arith.constant 5 : i32
        %add3A_549 = vector.broadcast %add3A_548 : i32 to vector<16xi32>
        %add3A_550 = arith.addi %add3A_461, %add3A_549 : vector<16xi32>
        tpu.vector_store_idx %arg8[%add3A_550], %get3A_547 : memref<16384xf32, #tpu.memory_space<vmem>>[vector<16xi32>], vector<16xf32>,
        %add3A_551 = arith.constant 5 : i32
        %add3A_552 = arith.addi %mul3A_452, %add3A_551 : i32
        %get3A_553 = arith.index_cast %add3A_552 : i32 to index
        %get3A_554 = arith.constant 16 : index
        %get3A_555 = tpu.vector_load %arg6[%get3A_553, %get3A_554] {strides = array<i32>} : memref<512x32xf32, #tpu.memory_space<vmem>>, vector<16xf32>,
        %add3A_556 = arith.constant 5 : i32
        %add3A_557 = vector.broadcast %add3A_556 : i32 to vector<16xi32>
        %add3A_558 = arith.addi %add3A_463, %add3A_557 : vector<16xi32>
        tpu.vector_store_idx %arg8[%add3A_558], %get3A_555 : memref<16384xf32, #tpu.memory_space<vmem>>[vector<16xi32>], vector<16xf32>,
        %add3A_559 = arith.constant 6 : i32
        %add3A_560 = arith.addi %mul3A_452, %add3A_559 : i32
        %get3A_561 = arith.index_cast %add3A_560 : i32 to index
        %get3A_562 = arith.constant 0 : index
        %get3A_563 = tpu.vector_load %arg6[%get3A_561, %get3A_562] {strides = array<i32>} : memref<512x32xf32, #tpu.memory_space<vmem>>, vector<16xf32>,
        %add3A_564 = arith.constant 6 : i32
        %add3A_565 = vector.broadcast %add3A_564 : i32 to vector<16xi32>
        %add3A_566 = arith.addi %add3A_461, %add3A_565 : vector<16xi32>
        tpu.vector_store_idx %arg8[%add3A_566], %get3A_563 : memref<16384xf32, #tpu.memory_space<vmem>>[vector<16xi32>], vector<16xf32>,
        %add3A_567 = arith.constant 6 : i32
        %add3A_568 = arith.addi %mul3A_452, %add3A_567 : i32
        %get3A_569 = arith.index_cast %add3A_568 : i32 to index
        %get3A_570 = arith.constant 16 : index
        %get3A_571 = tpu.vector_load %arg6[%get3A_569, %get3A_570] {strides = array<i32>} : memref<512x32xf32, #tpu.memory_space<vmem>>, vector<16xf32>,
        %add3A_572 = arith.constant 6 : i32
        %add3A_573 = vector.broadcast %add3A_572 : i32 to vector<16xi32>
        %add3A_574 = arith.addi %add3A_463, %add3A_573 : vector<16xi32>
        tpu.vector_store_idx %arg8[%add3A_574], %get3A_571 : memref<16384xf32, #tpu.memory_space<vmem>>[vector<16xi32>], vector<16xf32>,
        %add3A_575 = arith.constant 7 : i32
        %add3A_576 = arith.addi %mul3A_452, %add3A_575 : i32
        %get3A_577 = arith.index_cast %add3A_576 : i32 to index
        %get3A_578 = arith.constant 0 : index
        %get3A_579 = tpu.vector_load %arg6[%get3A_577, %get3A_578] {strides = array<i32>} : memref<512x32xf32, #tpu.memory_space<vmem>>, vector<16xf32>,
        %add3A_580 = arith.constant 7 : i32
        %add3A_581 = vector.broadcast %add3A_580 : i32 to vector<16xi32>
        %add3A_582 = arith.addi %add3A_461, %add3A_581 : vector<16xi32>
        tpu.vector_store_idx %arg8[%add3A_582], %get3A_579 : memref<16384xf32, #tpu.memory_space<vmem>>[vector<16xi32>], vector<16xf32>,
        %add3A_583 = arith.constant 7 : i32
        %add3A_584 = arith.addi %mul3A_452, %add3A_583 : i32
        %get3A_585 = arith.index_cast %add3A_584 : i32 to index
        %get3A_586 = arith.constant 16 : index
        %get3A_587 = tpu.vector_load %arg6[%get3A_585, %get3A_586] {strides = array<i32>} : memref<512x32xf32, #tpu.memory_space<vmem>>, vector<16xf32>,
        %add3A_588 = arith.constant 7 : i32
        %add3A_589 = vector.broadcast %add3A_588 : i32 to vector<16xi32>
        %add3A_590 = arith.addi %add3A_463, %add3A_589 : vector<16xi32>
        tpu.vector_store_idx %arg8[%add3A_590], %get3A_587 : memref<16384xf32, #tpu.memory_space<vmem>>[vector<16xi32>], vector<16xf32>,
      }
      %scan3A_139 = arith.constant 64 : i32
      %gt3A = arith.constant 0 : i32
      %gt3A_140 = arith.cmpi sgt, %scan3A_117, %gt3A : i32
      %convert_element_type3A = arith.extui %gt3A_140 : i1 to i32
      %cond3A = arith.constant 0 : i32
      %cond3A_141 = arith.cmpi ne, %convert_element_type3A, %cond3A : i32
      scf.if %cond3A_141 {
        %sub3A = arith.constant 1 : i32
        %sub3A_450 = arith.subi %mul3A_119, %sub3A : i32
        %mul3A_451 = arith.constant 512 : i32
        %mul3A_452 = arith.muli %sub3A_450, %mul3A_451 : i32
        %add3A_453 = arith.addi %mul3A_2, %mul3A_452 : i32
        %shift_right_arithmetic3A_454 = arith.constant 14 : i32
        %shift_right_arithmetic3A_455 = arith.shrsi %add3A_453, %shift_right_arithmetic3A_454 : i32
        %and3A_456 = arith.constant 16383 : i32
        %and3A_457 = arith.andi %add3A_453, %and3A_456 : i32
        %shift_right_arithmetic3A_458 = arith.constant 7 : i32
        %shift_right_arithmetic3A_459 = arith.shrsi %and3A_457, %shift_right_arithmetic3A_458 : i32
        %mul3A_460 = arith.constant 4 : i32
        %mul3A_461 = arith.muli %shift_right_arithmetic3A_455, %mul3A_460 : i32
        %add3A_462 = arith.constant 0 : i32
        %add3A_463 = arith.addi %mul3A_461, %add3A_462 : i32
        %mul3A_464 = arith.constant 128 : i32
        %mul3A_465 = arith.muli %add3A_463, %mul3A_464 : i32
        %add3A_466 = arith.addi %mul3A_465, %shift_right_arithmetic3A_459 : i32
        %mul3A_467 = arith.constant 1024 : i32
        %mul3A_468 = arith.muli %add3A_466, %mul3A_467 : i32
        %dma_wait3A_469 = arith.constant 0 : i32
        %dma_wait3A_470 = tpu.memref_slice %arg9[%dma_wait3A_469] : memref<16384xf32, #tpu.memory_space<vmem>> -> memref<4096xf32, #tpu.memory_space<vmem>>
        %dma_wait3A_471 = tpu.memref_slice %arg4[%mul3A_468] : memref<13631488xf32, #tpu.memory_space<hbm>> -> memref<4096xf32, #tpu.memory_space<hbm>>
        %dma_wait3A_472 = tpu.memref_slice %arg4[%mul3A_468] : memref<13631488xf32, #tpu.memory_space<hbm>> -> memref<4096xf32, #tpu.memory_space<hbm>>
        %dma_wait3A_473 = arith.constant 0 : i32
        %dma_wait3A_474 = tpu.memref_slice %arg9[%dma_wait3A_473] : memref<16384xf32, #tpu.memory_space<vmem>> -> memref<4096xf32, #tpu.memory_space<vmem>>
        tpu.wait_dma2 semaphore(%arg13 : memref<!tpu.dma_semaphore, #tpu.memory_space<semaphore_mem>>) src(%dma_wait3A_474 : memref<4096xf32, #tpu.memory_space<vmem>>) dst(%dma_wait3A_472 : memref<4096xf32, #tpu.memory_space<hbm>>)
        %mul3A_475 = arith.constant 512 : i32
        %mul3A_476 = arith.muli %sub3A_450, %mul3A_475 : i32
        %add3A_477 = arith.addi %mul3A_2, %mul3A_476 : i32
        %shift_right_arithmetic3A_478 = arith.constant 14 : i32
        %shift_right_arithmetic3A_479 = arith.shrsi %add3A_477, %shift_right_arithmetic3A_478 : i32
        %and3A_480 = arith.constant 16383 : i32
        %and3A_481 = arith.andi %add3A_477, %and3A_480 : i32
        %shift_right_arithmetic3A_482 = arith.constant 7 : i32
        %shift_right_arithmetic3A_483 = arith.shrsi %and3A_481, %shift_right_arithmetic3A_482 : i32
        %mul3A_484 = arith.constant 4 : i32
        %mul3A_485 = arith.muli %shift_right_arithmetic3A_479, %mul3A_484 : i32
        %add3A_486 = arith.constant 1 : i32
        %add3A_487 = arith.addi %mul3A_485, %add3A_486 : i32
        %mul3A_488 = arith.constant 128 : i32
        %mul3A_489 = arith.muli %add3A_487, %mul3A_488 : i32
        %add3A_490 = arith.addi %mul3A_489, %shift_right_arithmetic3A_483 : i32
        %mul3A_491 = arith.constant 1024 : i32
        %mul3A_492 = arith.muli %add3A_490, %mul3A_491 : i32
        %dma_wait3A_493 = arith.constant 4096 : i32
        %dma_wait3A_494 = tpu.memref_slice %arg9[%dma_wait3A_493] : memref<16384xf32, #tpu.memory_space<vmem>> -> memref<4096xf32, #tpu.memory_space<vmem>>
        %dma_wait3A_495 = tpu.memref_slice %arg4[%mul3A_492] : memref<13631488xf32, #tpu.memory_space<hbm>> -> memref<4096xf32, #tpu.memory_space<hbm>>
        %dma_wait3A_496 = tpu.memref_slice %arg4[%mul3A_492] : memref<13631488xf32, #tpu.memory_space<hbm>> -> memref<4096xf32, #tpu.memory_space<hbm>>
        %dma_wait3A_497 = arith.constant 4096 : i32
        %dma_wait3A_498 = tpu.memref_slice %arg9[%dma_wait3A_497] : memref<16384xf32, #tpu.memory_space<vmem>> -> memref<4096xf32, #tpu.memory_space<vmem>>
        tpu.wait_dma2 semaphore(%arg13 : memref<!tpu.dma_semaphore, #tpu.memory_space<semaphore_mem>>) src(%dma_wait3A_498 : memref<4096xf32, #tpu.memory_space<vmem>>) dst(%dma_wait3A_496 : memref<4096xf32, #tpu.memory_space<hbm>>)
        %mul3A_499 = arith.constant 512 : i32
        %mul3A_500 = arith.muli %sub3A_450, %mul3A_499 : i32
        %add3A_501 = arith.addi %mul3A_2, %mul3A_500 : i32
        %shift_right_arithmetic3A_502 = arith.constant 14 : i32
        %shift_right_arithmetic3A_503 = arith.shrsi %add3A_501, %shift_right_arithmetic3A_502 : i32
        %and3A_504 = arith.constant 16383 : i32
        %and3A_505 = arith.andi %add3A_501, %and3A_504 : i32
        %shift_right_arithmetic3A_506 = arith.constant 7 : i32
        %shift_right_arithmetic3A_507 = arith.shrsi %and3A_505, %shift_right_arithmetic3A_506 : i32
        %mul3A_508 = arith.constant 4 : i32
        %mul3A_509 = arith.muli %shift_right_arithmetic3A_503, %mul3A_508 : i32
        %add3A_510 = arith.constant 2 : i32
        %add3A_511 = arith.addi %mul3A_509, %add3A_510 : i32
        %mul3A_512 = arith.constant 128 : i32
        %mul3A_513 = arith.muli %add3A_511, %mul3A_512 : i32
        %add3A_514 = arith.addi %mul3A_513, %shift_right_arithmetic3A_507 : i32
        %mul3A_515 = arith.constant 1024 : i32
        %mul3A_516 = arith.muli %add3A_514, %mul3A_515 : i32
        %dma_wait3A_517 = arith.constant 8192 : i32
        %dma_wait3A_518 = tpu.memref_slice %arg9[%dma_wait3A_517] : memref<16384xf32, #tpu.memory_space<vmem>> -> memref<4096xf32, #tpu.memory_space<vmem>>
        %dma_wait3A_519 = tpu.memref_slice %arg4[%mul3A_516] : memref<13631488xf32, #tpu.memory_space<hbm>> -> memref<4096xf32, #tpu.memory_space<hbm>>
        %dma_wait3A_520 = tpu.memref_slice %arg4[%mul3A_516] : memref<13631488xf32, #tpu.memory_space<hbm>> -> memref<4096xf32, #tpu.memory_space<hbm>>
        %dma_wait3A_521 = arith.constant 8192 : i32
        %dma_wait3A_522 = tpu.memref_slice %arg9[%dma_wait3A_521] : memref<16384xf32, #tpu.memory_space<vmem>> -> memref<4096xf32, #tpu.memory_space<vmem>>
        tpu.wait_dma2 semaphore(%arg13 : memref<!tpu.dma_semaphore, #tpu.memory_space<semaphore_mem>>) src(%dma_wait3A_522 : memref<4096xf32, #tpu.memory_space<vmem>>) dst(%dma_wait3A_520 : memref<4096xf32, #tpu.memory_space<hbm>>)
        %mul3A_523 = arith.constant 512 : i32
        %mul3A_524 = arith.muli %sub3A_450, %mul3A_523 : i32
        %add3A_525 = arith.addi %mul3A_2, %mul3A_524 : i32
        %shift_right_arithmetic3A_526 = arith.constant 14 : i32
        %shift_right_arithmetic3A_527 = arith.shrsi %add3A_525, %shift_right_arithmetic3A_526 : i32
        %and3A_528 = arith.constant 16383 : i32
        %and3A_529 = arith.andi %add3A_525, %and3A_528 : i32
        %shift_right_arithmetic3A_530 = arith.constant 7 : i32
        %shift_right_arithmetic3A_531 = arith.shrsi %and3A_529, %shift_right_arithmetic3A_530 : i32
        %mul3A_532 = arith.constant 4 : i32
        %mul3A_533 = arith.muli %shift_right_arithmetic3A_527, %mul3A_532 : i32
        %add3A_534 = arith.constant 3 : i32
        %add3A_535 = arith.addi %mul3A_533, %add3A_534 : i32
        %mul3A_536 = arith.constant 128 : i32
        %mul3A_537 = arith.muli %add3A_535, %mul3A_536 : i32
        %add3A_538 = arith.addi %mul3A_537, %shift_right_arithmetic3A_531 : i32
        %mul3A_539 = arith.constant 1024 : i32
        %mul3A_540 = arith.muli %add3A_538, %mul3A_539 : i32
        %dma_wait3A_541 = arith.constant 12288 : i32
        %dma_wait3A_542 = tpu.memref_slice %arg9[%dma_wait3A_541] : memref<16384xf32, #tpu.memory_space<vmem>> -> memref<4096xf32, #tpu.memory_space<vmem>>
        %dma_wait3A_543 = tpu.memref_slice %arg4[%mul3A_540] : memref<13631488xf32, #tpu.memory_space<hbm>> -> memref<4096xf32, #tpu.memory_space<hbm>>
        %dma_wait3A_544 = tpu.memref_slice %arg4[%mul3A_540] : memref<13631488xf32, #tpu.memory_space<hbm>> -> memref<4096xf32, #tpu.memory_space<hbm>>
        %dma_wait3A_545 = arith.constant 12288 : i32
        %dma_wait3A_546 = tpu.memref_slice %arg9[%dma_wait3A_545] : memref<16384xf32, #tpu.memory_space<vmem>> -> memref<4096xf32, #tpu.memory_space<vmem>>
        tpu.wait_dma2 semaphore(%arg13 : memref<!tpu.dma_semaphore, #tpu.memory_space<semaphore_mem>>) src(%dma_wait3A_546 : memref<4096xf32, #tpu.memory_space<vmem>>) dst(%dma_wait3A_544 : memref<4096xf32, #tpu.memory_space<hbm>>)
      } else {
      }
      %mul3A_142 = arith.constant 512 : i32
      %mul3A_143 = arith.muli %mul3A_119, %mul3A_142 : i32
      %add3A_144 = arith.addi %mul3A_2, %mul3A_143 : i32
      %shift_right_arithmetic3A_145 = arith.constant 14 : i32
      %shift_right_arithmetic3A_146 = arith.shrsi %add3A_144, %shift_right_arithmetic3A_145 : i32
      %and3A_147 = arith.constant 16383 : i32
      %and3A_148 = arith.andi %add3A_144, %and3A_147 : i32
      %shift_right_arithmetic3A_149 = arith.constant 7 : i32
      %shift_right_arithmetic3A_150 = arith.shrsi %and3A_148, %shift_right_arithmetic3A_149 : i32
      %mul3A_151 = arith.constant 4 : i32
      %mul3A_152 = arith.muli %shift_right_arithmetic3A_146, %mul3A_151 : i32
      %add3A_153 = arith.constant 0 : i32
      %add3A_154 = arith.addi %mul3A_152, %add3A_153 : i32
      %mul3A_155 = arith.constant 128 : i32
      %mul3A_156 = arith.muli %add3A_154, %mul3A_155 : i32
      %add3A_157 = arith.addi %mul3A_156, %shift_right_arithmetic3A_150 : i32
      %mul3A_158 = arith.constant 1024 : i32
      %mul3A_159 = arith.muli %add3A_157, %mul3A_158 : i32
      %dma_start3A_160 = arith.constant 0 : i32
      %dma_start3A_161 = tpu.memref_slice %arg8[%dma_start3A_160] : memref<16384xf32, #tpu.memory_space<vmem>> -> memref<4096xf32, #tpu.memory_space<vmem>>
      %dma_start3A_162 = tpu.memref_slice %arg4[%mul3A_159] : memref<13631488xf32, #tpu.memory_space<hbm>> -> memref<4096xf32, #tpu.memory_space<hbm>>
      %dma_start3A_163 = tpu.memref_slice %arg4[%mul3A_159] : memref<13631488xf32, #tpu.memory_space<hbm>> -> memref<4096xf32, #tpu.memory_space<hbm>>
      %dma_start3A_164 = arith.constant 0 : i32
      %dma_start3A_165 = tpu.memref_slice %arg8[%dma_start3A_164] : memref<16384xf32, #tpu.memory_space<vmem>> -> memref<4096xf32, #tpu.memory_space<vmem>>
      tpu.enqueue_dma source(%dma_start3A_165 : memref<4096xf32, #tpu.memory_space<vmem>>) target(%dma_start3A_163 : memref<4096xf32, #tpu.memory_space<hbm>>) target_semaphore(%arg12 : memref<!tpu.dma_semaphore, #tpu.memory_space<semaphore_mem>>)
      %mul3A_166 = arith.constant 512 : i32
      %mul3A_167 = arith.muli %mul3A_119, %mul3A_166 : i32
      %add3A_168 = arith.addi %mul3A_2, %mul3A_167 : i32
      %shift_right_arithmetic3A_169 = arith.constant 14 : i32
      %shift_right_arithmetic3A_170 = arith.shrsi %add3A_168, %shift_right_arithmetic3A_169 : i32
      %and3A_171 = arith.constant 16383 : i32
      %and3A_172 = arith.andi %add3A_168, %and3A_171 : i32
      %shift_right_arithmetic3A_173 = arith.constant 7 : i32
      %shift_right_arithmetic3A_174 = arith.shrsi %and3A_172, %shift_right_arithmetic3A_173 : i32
      %mul3A_175 = arith.constant 4 : i32
      %mul3A_176 = arith.muli %shift_right_arithmetic3A_170, %mul3A_175 : i32
      %add3A_177 = arith.constant 1 : i32
      %add3A_178 = arith.addi %mul3A_176, %add3A_177 : i32
      %mul3A_179 = arith.constant 128 : i32
      %mul3A_180 = arith.muli %add3A_178, %mul3A_179 : i32
      %add3A_181 = arith.addi %mul3A_180, %shift_right_arithmetic3A_174 : i32
      %mul3A_182 = arith.constant 1024 : i32
      %mul3A_183 = arith.muli %add3A_181, %mul3A_182 : i32
      %dma_start3A_184 = arith.constant 4096 : i32
      %dma_start3A_185 = tpu.memref_slice %arg8[%dma_start3A_184] : memref<16384xf32, #tpu.memory_space<vmem>> -> memref<4096xf32, #tpu.memory_space<vmem>>
      %dma_start3A_186 = tpu.memref_slice %arg4[%mul3A_183] : memref<13631488xf32, #tpu.memory_space<hbm>> -> memref<4096xf32, #tpu.memory_space<hbm>>
      %dma_start3A_187 = tpu.memref_slice %arg4[%mul3A_183] : memref<13631488xf32, #tpu.memory_space<hbm>> -> memref<4096xf32, #tpu.memory_space<hbm>>
      %dma_start3A_188 = arith.constant 4096 : i32
      %dma_start3A_189 = tpu.memref_slice %arg8[%dma_start3A_188] : memref<16384xf32, #tpu.memory_space<vmem>> -> memref<4096xf32, #tpu.memory_space<vmem>>
      tpu.enqueue_dma source(%dma_start3A_189 : memref<4096xf32, #tpu.memory_space<vmem>>) target(%dma_start3A_187 : memref<4096xf32, #tpu.memory_space<hbm>>) target_semaphore(%arg12 : memref<!tpu.dma_semaphore, #tpu.memory_space<semaphore_mem>>)
      %mul3A_190 = arith.constant 512 : i32
      %mul3A_191 = arith.muli %mul3A_119, %mul3A_190 : i32
      %add3A_192 = arith.addi %mul3A_2, %mul3A_191 : i32
      %shift_right_arithmetic3A_193 = arith.constant 14 : i32
      %shift_right_arithmetic3A_194 = arith.shrsi %add3A_192, %shift_right_arithmetic3A_193 : i32
      %and3A_195 = arith.constant 16383 : i32
      %and3A_196 = arith.andi %add3A_192, %and3A_195 : i32
      %shift_right_arithmetic3A_197 = arith.constant 7 : i32
      %shift_right_arithmetic3A_198 = arith.shrsi %and3A_196, %shift_right_arithmetic3A_197 : i32
      %mul3A_199 = arith.constant 4 : i32
      %mul3A_200 = arith.muli %shift_right_arithmetic3A_194, %mul3A_199 : i32
      %add3A_201 = arith.constant 2 : i32
      %add3A_202 = arith.addi %mul3A_200, %add3A_201 : i32
      %mul3A_203 = arith.constant 128 : i32
      %mul3A_204 = arith.muli %add3A_202, %mul3A_203 : i32
      %add3A_205 = arith.addi %mul3A_204, %shift_right_arithmetic3A_198 : i32
      %mul3A_206 = arith.constant 1024 : i32
      %mul3A_207 = arith.muli %add3A_205, %mul3A_206 : i32
      %dma_start3A_208 = arith.constant 8192 : i32
      %dma_start3A_209 = tpu.memref_slice %arg8[%dma_start3A_208] : memref<16384xf32, #tpu.memory_space<vmem>> -> memref<4096xf32, #tpu.memory_space<vmem>>
      %dma_start3A_210 = tpu.memref_slice %arg4[%mul3A_207] : memref<13631488xf32, #tpu.memory_space<hbm>> -> memref<4096xf32, #tpu.memory_space<hbm>>
      %dma_start3A_211 = tpu.memref_slice %arg4[%mul3A_207] : memref<13631488xf32, #tpu.memory_space<hbm>> -> memref<4096xf32, #tpu.memory_space<hbm>>
      %dma_start3A_212 = arith.constant 8192 : i32
      %dma_start3A_213 = tpu.memref_slice %arg8[%dma_start3A_212] : memref<16384xf32, #tpu.memory_space<vmem>> -> memref<4096xf32, #tpu.memory_space<vmem>>
      tpu.enqueue_dma source(%dma_start3A_213 : memref<4096xf32, #tpu.memory_space<vmem>>) target(%dma_start3A_211 : memref<4096xf32, #tpu.memory_space<hbm>>) target_semaphore(%arg12 : memref<!tpu.dma_semaphore, #tpu.memory_space<semaphore_mem>>)
      %mul3A_214 = arith.constant 512 : i32
      %mul3A_215 = arith.muli %mul3A_119, %mul3A_214 : i32
      %add3A_216 = arith.addi %mul3A_2, %mul3A_215 : i32
      %shift_right_arithmetic3A_217 = arith.constant 14 : i32
      %shift_right_arithmetic3A_218 = arith.shrsi %add3A_216, %shift_right_arithmetic3A_217 : i32
      %and3A_219 = arith.constant 16383 : i32
      %and3A_220 = arith.andi %add3A_216, %and3A_219 : i32
      %shift_right_arithmetic3A_221 = arith.constant 7 : i32
      %shift_right_arithmetic3A_222 = arith.shrsi %and3A_220, %shift_right_arithmetic3A_221 : i32
      %mul3A_223 = arith.constant 4 : i32
      %mul3A_224 = arith.muli %shift_right_arithmetic3A_218, %mul3A_223 : i32
      %add3A_225 = arith.constant 3 : i32
      %add3A_226 = arith.addi %mul3A_224, %add3A_225 : i32
      %mul3A_227 = arith.constant 128 : i32
      %mul3A_228 = arith.muli %add3A_226, %mul3A_227 : i32
      %add3A_229 = arith.addi %mul3A_228, %shift_right_arithmetic3A_222 : i32
      %mul3A_230 = arith.constant 1024 : i32
      %mul3A_231 = arith.muli %add3A_229, %mul3A_230 : i32
      %dma_start3A_232 = arith.constant 12288 : i32
      %dma_start3A_233 = tpu.memref_slice %arg8[%dma_start3A_232] : memref<16384xf32, #tpu.memory_space<vmem>> -> memref<4096xf32, #tpu.memory_space<vmem>>
      %dma_start3A_234 = tpu.memref_slice %arg4[%mul3A_231] : memref<13631488xf32, #tpu.memory_space<hbm>> -> memref<4096xf32, #tpu.memory_space<hbm>>
      %dma_start3A_235 = tpu.memref_slice %arg4[%mul3A_231] : memref<13631488xf32, #tpu.memory_space<hbm>> -> memref<4096xf32, #tpu.memory_space<hbm>>
      %dma_start3A_236 = arith.constant 12288 : i32
      %dma_start3A_237 = tpu.memref_slice %arg8[%dma_start3A_236] : memref<16384xf32, #tpu.memory_space<vmem>> -> memref<4096xf32, #tpu.memory_space<vmem>>
      tpu.enqueue_dma source(%dma_start3A_237 : memref<4096xf32, #tpu.memory_space<vmem>>) target(%dma_start3A_235 : memref<4096xf32, #tpu.memory_space<hbm>>) target_semaphore(%arg12 : memref<!tpu.dma_semaphore, #tpu.memory_space<semaphore_mem>>)
      %add3A_238 = arith.constant 1 : i32
      %add3A_239 = arith.addi %mul3A_119, %add3A_238 : i32
      %mul3A_240 = arith.constant 512 : i32
      %mul3A_241 = arith.muli %add3A_239, %mul3A_240 : i32
      %dma_wait3A_242 = tpu.memref_slice %arg5[%mul3A_241] : memref<13312xi32, #tpu.memory_space<vmem>> -> memref<512xi32, #tpu.memory_space<vmem>>
      %dma_wait3A_243 = arith.constant 0 : i32
      %dma_wait3A_244 = arith.constant 0 : i32
      %dma_wait3A_245 = tpu.memref_slice %arg3[%dma_wait3A_243, %dma_wait3A_244] : memref<1048576x32xf32, #tpu.memory_space<hbm>> -> memref<1048576x32xf32, #tpu.memory_space<hbm>>
      tpu.wait_indirect_dma semaphore(%arg11 : memref<!tpu.dma_semaphore, #tpu.memory_space<semaphore_mem>>) src(%dma_wait3A_245 : memref<1048576x32xf32, #tpu.memory_space<hbm>>) dst(%arg7 : memref<512x32xf32, #tpu.memory_space<vmem>>)
      %lt3A = arith.constant 12 : i32
      %lt3A_246 = arith.cmpi slt, %scan3A_117, %lt3A : i32
      %convert_element_type3A_247 = arith.extui %lt3A_246 : i1 to i32
      %cond3A_248 = arith.constant 0 : i32
      %cond3A_249 = arith.cmpi ne, %convert_element_type3A_247, %cond3A_248 : i32
      scf.if %cond3A_249 {
        %add3A_450 = arith.constant 2 : i32
        %add3A_451 = arith.addi %mul3A_119, %add3A_450 : i32
        %mul3A_452 = arith.constant 512 : i32
        %mul3A_453 = arith.muli %add3A_451, %mul3A_452 : i32
        %dma_start3A_454 = tpu.memref_slice %arg5[%mul3A_453] : memref<13312xi32, #tpu.memory_space<vmem>> -> memref<512xi32, #tpu.memory_space<vmem>>
        %dma_start3A_455 = arith.constant 0 : i32
        %dma_start3A_456 = arith.constant 0 : i32
        %dma_start3A_457 = tpu.memref_slice %arg3[%dma_start3A_455, %dma_start3A_456] : memref<1048576x32xf32, #tpu.memory_space<hbm>> -> memref<1048576x32xf32, #tpu.memory_space<hbm>>
        tpu.enqueue_indirect_dma source(%dma_start3A_457 : memref<1048576x32xf32, #tpu.memory_space<hbm>>) target(%arg6 : memref<512x32xf32, #tpu.memory_space<vmem>>) offsets(%dma_start3A_454 : memref<512xi32, #tpu.memory_space<vmem>>) semaphore(%arg10 : memref<!tpu.dma_semaphore, #tpu.memory_space<semaphore_mem>>)
      } else {
      }
      %scan3A_250 = arith.constant 0 : i32
      %scan3A_251 = arith.constant 0 : i32
      %scan3A_252 = arith.constant 64 : i32
      %scan3A_253 = arith.addi %scan3A_251, %scan3A_252 : i32
      %scan3A_254 = arith.constant 1 : i32
      scf.for %scan3A_450 = %scan3A_251 to %scan3A_253 step %scan3A_254  : i32 {
        %mul3A_451 = arith.constant 8 : i32
        %mul3A_452 = arith.muli %scan3A_450, %mul3A_451 : i32
        %shift_right_arithmetic3A_453 = arith.constant 7 : i32
        %shift_right_arithmetic3A_454 = arith.shrsi %mul3A_452, %shift_right_arithmetic3A_453 : i32
        %mul3A_455 = arith.constant 1024 : i32
        %mul3A_456 = arith.muli %shift_right_arithmetic3A_454, %mul3A_455 : i32
        %and3A_457 = arith.constant 127 : i32
        %and3A_458 = arith.andi %mul3A_452, %and3A_457 : i32
        %add3A_459 = arith.addi %mul3A_456, %and3A_458 : i32
        %add3A_460 = vector.broadcast %add3A_459 : i32 to vector<16xi32>
        %add3A_461 = arith.addi %add3A_13, %add3A_460 : vector<16xi32>
        %add3A_462 = vector.broadcast %add3A_459 : i32 to vector<16xi32>
        %add3A_463 = arith.addi %add3A_16, %add3A_462 : vector<16xi32>
        %add3A_464 = arith.constant 0 : i32
        %add3A_465 = arith.addi %mul3A_452, %add3A_464 : i32
        %get3A = arith.index_cast %add3A_465 : i32 to index
        %get3A_466 = arith.constant 0 : index
        %get3A_467 = tpu.vector_load %arg7[%get3A, %get3A_466] {strides = array<i32>} : memref<512x32xf32, #tpu.memory_space<vmem>>, vector<16xf32>,
        %add3A_468 = arith.constant 0 : i32
        %add3A_469 = vector.broadcast %add3A_468 : i32 to vector<16xi32>
        %add3A_470 = arith.addi %add3A_461, %add3A_469 : vector<16xi32>
        tpu.vector_store_idx %arg9[%add3A_470], %get3A_467 : memref<16384xf32, #tpu.memory_space<vmem>>[vector<16xi32>], vector<16xf32>,
        %add3A_471 = arith.constant 0 : i32
        %add3A_472 = arith.addi %mul3A_452, %add3A_471 : i32
        %get3A_473 = arith.index_cast %add3A_472 : i32 to index
        %get3A_474 = arith.constant 16 : index
        %get3A_475 = tpu.vector_load %arg7[%get3A_473, %get3A_474] {strides = array<i32>} : memref<512x32xf32, #tpu.memory_space<vmem>>, vector<16xf32>,
        %add3A_476 = arith.constant 0 : i32
        %add3A_477 = vector.broadcast %add3A_476 : i32 to vector<16xi32>
        %add3A_478 = arith.addi %add3A_463, %add3A_477 : vector<16xi32>
        tpu.vector_store_idx %arg9[%add3A_478], %get3A_475 : memref<16384xf32, #tpu.memory_space<vmem>>[vector<16xi32>], vector<16xf32>,
        %add3A_479 = arith.constant 1 : i32
        %add3A_480 = arith.addi %mul3A_452, %add3A_479 : i32
        %get3A_481 = arith.index_cast %add3A_480 : i32 to index
        %get3A_482 = arith.constant 0 : index
        %get3A_483 = tpu.vector_load %arg7[%get3A_481, %get3A_482] {strides = array<i32>} : memref<512x32xf32, #tpu.memory_space<vmem>>, vector<16xf32>,
        %add3A_484 = arith.constant 1 : i32
        %add3A_485 = vector.broadcast %add3A_484 : i32 to vector<16xi32>
        %add3A_486 = arith.addi %add3A_461, %add3A_485 : vector<16xi32>
        tpu.vector_store_idx %arg9[%add3A_486], %get3A_483 : memref<16384xf32, #tpu.memory_space<vmem>>[vector<16xi32>], vector<16xf32>,
        %add3A_487 = arith.constant 1 : i32
        %add3A_488 = arith.addi %mul3A_452, %add3A_487 : i32
        %get3A_489 = arith.index_cast %add3A_488 : i32 to index
        %get3A_490 = arith.constant 16 : index
        %get3A_491 = tpu.vector_load %arg7[%get3A_489, %get3A_490] {strides = array<i32>} : memref<512x32xf32, #tpu.memory_space<vmem>>, vector<16xf32>,
        %add3A_492 = arith.constant 1 : i32
        %add3A_493 = vector.broadcast %add3A_492 : i32 to vector<16xi32>
        %add3A_494 = arith.addi %add3A_463, %add3A_493 : vector<16xi32>
        tpu.vector_store_idx %arg9[%add3A_494], %get3A_491 : memref<16384xf32, #tpu.memory_space<vmem>>[vector<16xi32>], vector<16xf32>,
        %add3A_495 = arith.constant 2 : i32
        %add3A_496 = arith.addi %mul3A_452, %add3A_495 : i32
        %get3A_497 = arith.index_cast %add3A_496 : i32 to index
        %get3A_498 = arith.constant 0 : index
        %get3A_499 = tpu.vector_load %arg7[%get3A_497, %get3A_498] {strides = array<i32>} : memref<512x32xf32, #tpu.memory_space<vmem>>, vector<16xf32>,
        %add3A_500 = arith.constant 2 : i32
        %add3A_501 = vector.broadcast %add3A_500 : i32 to vector<16xi32>
        %add3A_502 = arith.addi %add3A_461, %add3A_501 : vector<16xi32>
        tpu.vector_store_idx %arg9[%add3A_502], %get3A_499 : memref<16384xf32, #tpu.memory_space<vmem>>[vector<16xi32>], vector<16xf32>,
        %add3A_503 = arith.constant 2 : i32
        %add3A_504 = arith.addi %mul3A_452, %add3A_503 : i32
        %get3A_505 = arith.index_cast %add3A_504 : i32 to index
        %get3A_506 = arith.constant 16 : index
        %get3A_507 = tpu.vector_load %arg7[%get3A_505, %get3A_506] {strides = array<i32>} : memref<512x32xf32, #tpu.memory_space<vmem>>, vector<16xf32>,
        %add3A_508 = arith.constant 2 : i32
        %add3A_509 = vector.broadcast %add3A_508 : i32 to vector<16xi32>
        %add3A_510 = arith.addi %add3A_463, %add3A_509 : vector<16xi32>
        tpu.vector_store_idx %arg9[%add3A_510], %get3A_507 : memref<16384xf32, #tpu.memory_space<vmem>>[vector<16xi32>], vector<16xf32>,
        %add3A_511 = arith.constant 3 : i32
        %add3A_512 = arith.addi %mul3A_452, %add3A_511 : i32
        %get3A_513 = arith.index_cast %add3A_512 : i32 to index
        %get3A_514 = arith.constant 0 : index
        %get3A_515 = tpu.vector_load %arg7[%get3A_513, %get3A_514] {strides = array<i32>} : memref<512x32xf32, #tpu.memory_space<vmem>>, vector<16xf32>,
        %add3A_516 = arith.constant 3 : i32
        %add3A_517 = vector.broadcast %add3A_516 : i32 to vector<16xi32>
        %add3A_518 = arith.addi %add3A_461, %add3A_517 : vector<16xi32>
        tpu.vector_store_idx %arg9[%add3A_518], %get3A_515 : memref<16384xf32, #tpu.memory_space<vmem>>[vector<16xi32>], vector<16xf32>,
        %add3A_519 = arith.constant 3 : i32
        %add3A_520 = arith.addi %mul3A_452, %add3A_519 : i32
        %get3A_521 = arith.index_cast %add3A_520 : i32 to index
        %get3A_522 = arith.constant 16 : index
        %get3A_523 = tpu.vector_load %arg7[%get3A_521, %get3A_522] {strides = array<i32>} : memref<512x32xf32, #tpu.memory_space<vmem>>, vector<16xf32>,
        %add3A_524 = arith.constant 3 : i32
        %add3A_525 = vector.broadcast %add3A_524 : i32 to vector<16xi32>
        %add3A_526 = arith.addi %add3A_463, %add3A_525 : vector<16xi32>
        tpu.vector_store_idx %arg9[%add3A_526], %get3A_523 : memref<16384xf32, #tpu.memory_space<vmem>>[vector<16xi32>], vector<16xf32>,
        %add3A_527 = arith.constant 4 : i32
        %add3A_528 = arith.addi %mul3A_452, %add3A_527 : i32
        %get3A_529 = arith.index_cast %add3A_528 : i32 to index
        %get3A_530 = arith.constant 0 : index
        %get3A_531 = tpu.vector_load %arg7[%get3A_529, %get3A_530] {strides = array<i32>} : memref<512x32xf32, #tpu.memory_space<vmem>>, vector<16xf32>,
        %add3A_532 = arith.constant 4 : i32
        %add3A_533 = vector.broadcast %add3A_532 : i32 to vector<16xi32>
        %add3A_534 = arith.addi %add3A_461, %add3A_533 : vector<16xi32>
        tpu.vector_store_idx %arg9[%add3A_534], %get3A_531 : memref<16384xf32, #tpu.memory_space<vmem>>[vector<16xi32>], vector<16xf32>,
        %add3A_535 = arith.constant 4 : i32
        %add3A_536 = arith.addi %mul3A_452, %add3A_535 : i32
        %get3A_537 = arith.index_cast %add3A_536 : i32 to index
        %get3A_538 = arith.constant 16 : index
        %get3A_539 = tpu.vector_load %arg7[%get3A_537, %get3A_538] {strides = array<i32>} : memref<512x32xf32, #tpu.memory_space<vmem>>, vector<16xf32>,
        %add3A_540 = arith.constant 4 : i32
        %add3A_541 = vector.broadcast %add3A_540 : i32 to vector<16xi32>
        %add3A_542 = arith.addi %add3A_463, %add3A_541 : vector<16xi32>
        tpu.vector_store_idx %arg9[%add3A_542], %get3A_539 : memref<16384xf32, #tpu.memory_space<vmem>>[vector<16xi32>], vector<16xf32>,
        %add3A_543 = arith.constant 5 : i32
        %add3A_544 = arith.addi %mul3A_452, %add3A_543 : i32
        %get3A_545 = arith.index_cast %add3A_544 : i32 to index
        %get3A_546 = arith.constant 0 : index
        %get3A_547 = tpu.vector_load %arg7[%get3A_545, %get3A_546] {strides = array<i32>} : memref<512x32xf32, #tpu.memory_space<vmem>>, vector<16xf32>,
        %add3A_548 = arith.constant 5 : i32
        %add3A_549 = vector.broadcast %add3A_548 : i32 to vector<16xi32>
        %add3A_550 = arith.addi %add3A_461, %add3A_549 : vector<16xi32>
        tpu.vector_store_idx %arg9[%add3A_550], %get3A_547 : memref<16384xf32, #tpu.memory_space<vmem>>[vector<16xi32>], vector<16xf32>,
        %add3A_551 = arith.constant 5 : i32
        %add3A_552 = arith.addi %mul3A_452, %add3A_551 : i32
        %get3A_553 = arith.index_cast %add3A_552 : i32 to index
        %get3A_554 = arith.constant 16 : index
        %get3A_555 = tpu.vector_load %arg7[%get3A_553, %get3A_554] {strides = array<i32>} : memref<512x32xf32, #tpu.memory_space<vmem>>, vector<16xf32>,
        %add3A_556 = arith.constant 5 : i32
        %add3A_557 = vector.broadcast %add3A_556 : i32 to vector<16xi32>
        %add3A_558 = arith.addi %add3A_463, %add3A_557 : vector<16xi32>
        tpu.vector_store_idx %arg9[%add3A_558], %get3A_555 : memref<16384xf32, #tpu.memory_space<vmem>>[vector<16xi32>], vector<16xf32>,
        %add3A_559 = arith.constant 6 : i32
        %add3A_560 = arith.addi %mul3A_452, %add3A_559 : i32
        %get3A_561 = arith.index_cast %add3A_560 : i32 to index
        %get3A_562 = arith.constant 0 : index
        %get3A_563 = tpu.vector_load %arg7[%get3A_561, %get3A_562] {strides = array<i32>} : memref<512x32xf32, #tpu.memory_space<vmem>>, vector<16xf32>,
        %add3A_564 = arith.constant 6 : i32
        %add3A_565 = vector.broadcast %add3A_564 : i32 to vector<16xi32>
        %add3A_566 = arith.addi %add3A_461, %add3A_565 : vector<16xi32>
        tpu.vector_store_idx %arg9[%add3A_566], %get3A_563 : memref<16384xf32, #tpu.memory_space<vmem>>[vector<16xi32>], vector<16xf32>,
        %add3A_567 = arith.constant 6 : i32
        %add3A_568 = arith.addi %mul3A_452, %add3A_567 : i32
        %get3A_569 = arith.index_cast %add3A_568 : i32 to index
        %get3A_570 = arith.constant 16 : index
        %get3A_571 = tpu.vector_load %arg7[%get3A_569, %get3A_570] {strides = array<i32>} : memref<512x32xf32, #tpu.memory_space<vmem>>, vector<16xf32>,
        %add3A_572 = arith.constant 6 : i32
        %add3A_573 = vector.broadcast %add3A_572 : i32 to vector<16xi32>
        %add3A_574 = arith.addi %add3A_463, %add3A_573 : vector<16xi32>
        tpu.vector_store_idx %arg9[%add3A_574], %get3A_571 : memref<16384xf32, #tpu.memory_space<vmem>>[vector<16xi32>], vector<16xf32>,
        %add3A_575 = arith.constant 7 : i32
        %add3A_576 = arith.addi %mul3A_452, %add3A_575 : i32
        %get3A_577 = arith.index_cast %add3A_576 : i32 to index
        %get3A_578 = arith.constant 0 : index
        %get3A_579 = tpu.vector_load %arg7[%get3A_577, %get3A_578] {strides = array<i32>} : memref<512x32xf32, #tpu.memory_space<vmem>>, vector<16xf32>,
        %add3A_580 = arith.constant 7 : i32
        %add3A_581 = vector.broadcast %add3A_580 : i32 to vector<16xi32>
        %add3A_582 = arith.addi %add3A_461, %add3A_581 : vector<16xi32>
        tpu.vector_store_idx %arg9[%add3A_582], %get3A_579 : memref<16384xf32, #tpu.memory_space<vmem>>[vector<16xi32>], vector<16xf32>,
        %add3A_583 = arith.constant 7 : i32
        %add3A_584 = arith.addi %mul3A_452, %add3A_583 : i32
        %get3A_585 = arith.index_cast %add3A_584 : i32 to index
        %get3A_586 = arith.constant 16 : index
        %get3A_587 = tpu.vector_load %arg7[%get3A_585, %get3A_586] {strides = array<i32>} : memref<512x32xf32, #tpu.memory_space<vmem>>, vector<16xf32>,
        %add3A_588 = arith.constant 7 : i32
        %add3A_589 = vector.broadcast %add3A_588 : i32 to vector<16xi32>
        %add3A_590 = arith.addi %add3A_463, %add3A_589 : vector<16xi32>
        tpu.vector_store_idx %arg9[%add3A_590], %get3A_587 : memref<16384xf32, #tpu.memory_space<vmem>>[vector<16xi32>], vector<16xf32>,
      }
      %scan3A_255 = arith.constant 64 : i32
      %mul3A_256 = arith.constant 512 : i32
      %mul3A_257 = arith.muli %mul3A_119, %mul3A_256 : i32
      %add3A_258 = arith.addi %mul3A_2, %mul3A_257 : i32
      %shift_right_arithmetic3A_259 = arith.constant 14 : i32
      %shift_right_arithmetic3A_260 = arith.shrsi %add3A_258, %shift_right_arithmetic3A_259 : i32
      %and3A_261 = arith.constant 16383 : i32
      %and3A_262 = arith.andi %add3A_258, %and3A_261 : i32
      %shift_right_arithmetic3A_263 = arith.constant 7 : i32
      %shift_right_arithmetic3A_264 = arith.shrsi %and3A_262, %shift_right_arithmetic3A_263 : i32
      %mul3A_265 = arith.constant 4 : i32
      %mul3A_266 = arith.muli %shift_right_arithmetic3A_260, %mul3A_265 : i32
      %add3A_267 = arith.constant 0 : i32
      %add3A_268 = arith.addi %mul3A_266, %add3A_267 : i32
      %mul3A_269 = arith.constant 128 : i32
      %mul3A_270 = arith.muli %add3A_268, %mul3A_269 : i32
      %add3A_271 = arith.addi %mul3A_270, %shift_right_arithmetic3A_264 : i32
      %mul3A_272 = arith.constant 1024 : i32
      %mul3A_273 = arith.muli %add3A_271, %mul3A_272 : i32
      %dma_wait3A_274 = arith.constant 0 : i32
      %dma_wait3A_275 = tpu.memref_slice %arg8[%dma_wait3A_274] : memref<16384xf32, #tpu.memory_space<vmem>> -> memref<4096xf32, #tpu.memory_space<vmem>>
      %dma_wait3A_276 = tpu.memref_slice %arg4[%mul3A_273] : memref<13631488xf32, #tpu.memory_space<hbm>> -> memref<4096xf32, #tpu.memory_space<hbm>>
      %dma_wait3A_277 = tpu.memref_slice %arg4[%mul3A_273] : memref<13631488xf32, #tpu.memory_space<hbm>> -> memref<4096xf32, #tpu.memory_space<hbm>>
      %dma_wait3A_278 = arith.constant 0 : i32
      %dma_wait3A_279 = tpu.memref_slice %arg8[%dma_wait3A_278] : memref<16384xf32, #tpu.memory_space<vmem>> -> memref<4096xf32, #tpu.memory_space<vmem>>
      tpu.wait_dma2 semaphore(%arg12 : memref<!tpu.dma_semaphore, #tpu.memory_space<semaphore_mem>>) src(%dma_wait3A_279 : memref<4096xf32, #tpu.memory_space<vmem>>) dst(%dma_wait3A_277 : memref<4096xf32, #tpu.memory_space<hbm>>)
      %mul3A_280 = arith.constant 512 : i32
      %mul3A_281 = arith.muli %mul3A_119, %mul3A_280 : i32
      %add3A_282 = arith.addi %mul3A_2, %mul3A_281 : i32
      %shift_right_arithmetic3A_283 = arith.constant 14 : i32
      %shift_right_arithmetic3A_284 = arith.shrsi %add3A_282, %shift_right_arithmetic3A_283 : i32
      %and3A_285 = arith.constant 16383 : i32
      %and3A_286 = arith.andi %add3A_282, %and3A_285 : i32
      %shift_right_arithmetic3A_287 = arith.constant 7 : i32
      %shift_right_arithmetic3A_288 = arith.shrsi %and3A_286, %shift_right_arithmetic3A_287 : i32
      %mul3A_289 = arith.constant 4 : i32
      %mul3A_290 = arith.muli %shift_right_arithmetic3A_284, %mul3A_289 : i32
      %add3A_291 = arith.constant 1 : i32
      %add3A_292 = arith.addi %mul3A_290, %add3A_291 : i32
      %mul3A_293 = arith.constant 128 : i32
      %mul3A_294 = arith.muli %add3A_292, %mul3A_293 : i32
      %add3A_295 = arith.addi %mul3A_294, %shift_right_arithmetic3A_288 : i32
      %mul3A_296 = arith.constant 1024 : i32
      %mul3A_297 = arith.muli %add3A_295, %mul3A_296 : i32
      %dma_wait3A_298 = arith.constant 4096 : i32
      %dma_wait3A_299 = tpu.memref_slice %arg8[%dma_wait3A_298] : memref<16384xf32, #tpu.memory_space<vmem>> -> memref<4096xf32, #tpu.memory_space<vmem>>
      %dma_wait3A_300 = tpu.memref_slice %arg4[%mul3A_297] : memref<13631488xf32, #tpu.memory_space<hbm>> -> memref<4096xf32, #tpu.memory_space<hbm>>
      %dma_wait3A_301 = tpu.memref_slice %arg4[%mul3A_297] : memref<13631488xf32, #tpu.memory_space<hbm>> -> memref<4096xf32, #tpu.memory_space<hbm>>
      %dma_wait3A_302 = arith.constant 4096 : i32
      %dma_wait3A_303 = tpu.memref_slice %arg8[%dma_wait3A_302] : memref<16384xf32, #tpu.memory_space<vmem>> -> memref<4096xf32, #tpu.memory_space<vmem>>
      tpu.wait_dma2 semaphore(%arg12 : memref<!tpu.dma_semaphore, #tpu.memory_space<semaphore_mem>>) src(%dma_wait3A_303 : memref<4096xf32, #tpu.memory_space<vmem>>) dst(%dma_wait3A_301 : memref<4096xf32, #tpu.memory_space<hbm>>)
      %mul3A_304 = arith.constant 512 : i32
      %mul3A_305 = arith.muli %mul3A_119, %mul3A_304 : i32
      %add3A_306 = arith.addi %mul3A_2, %mul3A_305 : i32
      %shift_right_arithmetic3A_307 = arith.constant 14 : i32
      %shift_right_arithmetic3A_308 = arith.shrsi %add3A_306, %shift_right_arithmetic3A_307 : i32
      %and3A_309 = arith.constant 16383 : i32
      %and3A_310 = arith.andi %add3A_306, %and3A_309 : i32
      %shift_right_arithmetic3A_311 = arith.constant 7 : i32
      %shift_right_arithmetic3A_312 = arith.shrsi %and3A_310, %shift_right_arithmetic3A_311 : i32
      %mul3A_313 = arith.constant 4 : i32
      %mul3A_314 = arith.muli %shift_right_arithmetic3A_308, %mul3A_313 : i32
      %add3A_315 = arith.constant 2 : i32
      %add3A_316 = arith.addi %mul3A_314, %add3A_315 : i32
      %mul3A_317 = arith.constant 128 : i32
      %mul3A_318 = arith.muli %add3A_316, %mul3A_317 : i32
      %add3A_319 = arith.addi %mul3A_318, %shift_right_arithmetic3A_312 : i32
      %mul3A_320 = arith.constant 1024 : i32
      %mul3A_321 = arith.muli %add3A_319, %mul3A_320 : i32
      %dma_wait3A_322 = arith.constant 8192 : i32
      %dma_wait3A_323 = tpu.memref_slice %arg8[%dma_wait3A_322] : memref<16384xf32, #tpu.memory_space<vmem>> -> memref<4096xf32, #tpu.memory_space<vmem>>
      %dma_wait3A_324 = tpu.memref_slice %arg4[%mul3A_321] : memref<13631488xf32, #tpu.memory_space<hbm>> -> memref<4096xf32, #tpu.memory_space<hbm>>
      %dma_wait3A_325 = tpu.memref_slice %arg4[%mul3A_321] : memref<13631488xf32, #tpu.memory_space<hbm>> -> memref<4096xf32, #tpu.memory_space<hbm>>
      %dma_wait3A_326 = arith.constant 8192 : i32
      %dma_wait3A_327 = tpu.memref_slice %arg8[%dma_wait3A_326] : memref<16384xf32, #tpu.memory_space<vmem>> -> memref<4096xf32, #tpu.memory_space<vmem>>
      tpu.wait_dma2 semaphore(%arg12 : memref<!tpu.dma_semaphore, #tpu.memory_space<semaphore_mem>>) src(%dma_wait3A_327 : memref<4096xf32, #tpu.memory_space<vmem>>) dst(%dma_wait3A_325 : memref<4096xf32, #tpu.memory_space<hbm>>)
      %mul3A_328 = arith.constant 512 : i32
      %mul3A_329 = arith.muli %mul3A_119, %mul3A_328 : i32
      %add3A_330 = arith.addi %mul3A_2, %mul3A_329 : i32
      %shift_right_arithmetic3A_331 = arith.constant 14 : i32
      %shift_right_arithmetic3A_332 = arith.shrsi %add3A_330, %shift_right_arithmetic3A_331 : i32
      %and3A_333 = arith.constant 16383 : i32
      %and3A_334 = arith.andi %add3A_330, %and3A_333 : i32
      %shift_right_arithmetic3A_335 = arith.constant 7 : i32
      %shift_right_arithmetic3A_336 = arith.shrsi %and3A_334, %shift_right_arithmetic3A_335 : i32
      %mul3A_337 = arith.constant 4 : i32
      %mul3A_338 = arith.muli %shift_right_arithmetic3A_332, %mul3A_337 : i32
      %add3A_339 = arith.constant 3 : i32
      %add3A_340 = arith.addi %mul3A_338, %add3A_339 : i32
      %mul3A_341 = arith.constant 128 : i32
      %mul3A_342 = arith.muli %add3A_340, %mul3A_341 : i32
      %add3A_343 = arith.addi %mul3A_342, %shift_right_arithmetic3A_336 : i32
      %mul3A_344 = arith.constant 1024 : i32
      %mul3A_345 = arith.muli %add3A_343, %mul3A_344 : i32
      %dma_wait3A_346 = arith.constant 12288 : i32
      %dma_wait3A_347 = tpu.memref_slice %arg8[%dma_wait3A_346] : memref<16384xf32, #tpu.memory_space<vmem>> -> memref<4096xf32, #tpu.memory_space<vmem>>
      %dma_wait3A_348 = tpu.memref_slice %arg4[%mul3A_345] : memref<13631488xf32, #tpu.memory_space<hbm>> -> memref<4096xf32, #tpu.memory_space<hbm>>
      %dma_wait3A_349 = tpu.memref_slice %arg4[%mul3A_345] : memref<13631488xf32, #tpu.memory_space<hbm>> -> memref<4096xf32, #tpu.memory_space<hbm>>
      %dma_wait3A_350 = arith.constant 12288 : i32
      %dma_wait3A_351 = tpu.memref_slice %arg8[%dma_wait3A_350] : memref<16384xf32, #tpu.memory_space<vmem>> -> memref<4096xf32, #tpu.memory_space<vmem>>
      tpu.wait_dma2 semaphore(%arg12 : memref<!tpu.dma_semaphore, #tpu.memory_space<semaphore_mem>>) src(%dma_wait3A_351 : memref<4096xf32, #tpu.memory_space<vmem>>) dst(%dma_wait3A_349 : memref<4096xf32, #tpu.memory_space<hbm>>)
      %add3A_352 = arith.constant 1 : i32
      %add3A_353 = arith.addi %mul3A_119, %add3A_352 : i32
      %mul3A_354 = arith.constant 512 : i32
      %mul3A_355 = arith.muli %add3A_353, %mul3A_354 : i32
      %add3A_356 = arith.addi %mul3A_2, %mul3A_355 : i32
      %shift_right_arithmetic3A_357 = arith.constant 14 : i32
      %shift_right_arithmetic3A_358 = arith.shrsi %add3A_356, %shift_right_arithmetic3A_357 : i32
      %and3A_359 = arith.constant 16383 : i32
      %and3A_360 = arith.andi %add3A_356, %and3A_359 : i32
      %shift_right_arithmetic3A_361 = arith.constant 7 : i32
      %shift_right_arithmetic3A_362 = arith.shrsi %and3A_360, %shift_right_arithmetic3A_361 : i32
      %mul3A_363 = arith.constant 4 : i32
      %mul3A_364 = arith.muli %shift_right_arithmetic3A_358, %mul3A_363 : i32
      %add3A_365 = arith.constant 0 : i32
      %add3A_366 = arith.addi %mul3A_364, %add3A_365 : i32
      %mul3A_367 = arith.constant 128 : i32
      %mul3A_368 = arith.muli %add3A_366, %mul3A_367 : i32
      %add3A_369 = arith.addi %mul3A_368, %shift_right_arithmetic3A_362 : i32
      %mul3A_370 = arith.constant 1024 : i32
      %mul3A_371 = arith.muli %add3A_369, %mul3A_370 : i32
      %dma_start3A_372 = arith.constant 0 : i32
      %dma_start3A_373 = tpu.memref_slice %arg9[%dma_start3A_372] : memref<16384xf32, #tpu.memory_space<vmem>> -> memref<4096xf32, #tpu.memory_space<vmem>>
      %dma_start3A_374 = tpu.memref_slice %arg4[%mul3A_371] : memref<13631488xf32, #tpu.memory_space<hbm>> -> memref<4096xf32, #tpu.memory_space<hbm>>
      %dma_start3A_375 = tpu.memref_slice %arg4[%mul3A_371] : memref<13631488xf32, #tpu.memory_space<hbm>> -> memref<4096xf32, #tpu.memory_space<hbm>>
      %dma_start3A_376 = arith.constant 0 : i32
      %dma_start3A_377 = tpu.memref_slice %arg9[%dma_start3A_376] : memref<16384xf32, #tpu.memory_space<vmem>> -> memref<4096xf32, #tpu.memory_space<vmem>>
      tpu.enqueue_dma source(%dma_start3A_377 : memref<4096xf32, #tpu.memory_space<vmem>>) target(%dma_start3A_375 : memref<4096xf32, #tpu.memory_space<hbm>>) target_semaphore(%arg13 : memref<!tpu.dma_semaphore, #tpu.memory_space<semaphore_mem>>)
      %mul3A_378 = arith.constant 512 : i32
      %mul3A_379 = arith.muli %add3A_353, %mul3A_378 : i32
      %add3A_380 = arith.addi %mul3A_2, %mul3A_379 : i32
      %shift_right_arithmetic3A_381 = arith.constant 14 : i32
      %shift_right_arithmetic3A_382 = arith.shrsi %add3A_380, %shift_right_arithmetic3A_381 : i32
      %and3A_383 = arith.constant 16383 : i32
      %and3A_384 = arith.andi %add3A_380, %and3A_383 : i32
      %shift_right_arithmetic3A_385 = arith.constant 7 : i32
      %shift_right_arithmetic3A_386 = arith.shrsi %and3A_384, %shift_right_arithmetic3A_385 : i32
      %mul3A_387 = arith.constant 4 : i32
      %mul3A_388 = arith.muli %shift_right_arithmetic3A_382, %mul3A_387 : i32
      %add3A_389 = arith.constant 1 : i32
      %add3A_390 = arith.addi %mul3A_388, %add3A_389 : i32
      %mul3A_391 = arith.constant 128 : i32
      %mul3A_392 = arith.muli %add3A_390, %mul3A_391 : i32
      %add3A_393 = arith.addi %mul3A_392, %shift_right_arithmetic3A_386 : i32
      %mul3A_394 = arith.constant 1024 : i32
      %mul3A_395 = arith.muli %add3A_393, %mul3A_394 : i32
      %dma_start3A_396 = arith.constant 4096 : i32
      %dma_start3A_397 = tpu.memref_slice %arg9[%dma_start3A_396] : memref<16384xf32, #tpu.memory_space<vmem>> -> memref<4096xf32, #tpu.memory_space<vmem>>
      %dma_start3A_398 = tpu.memref_slice %arg4[%mul3A_395] : memref<13631488xf32, #tpu.memory_space<hbm>> -> memref<4096xf32, #tpu.memory_space<hbm>>
      %dma_start3A_399 = tpu.memref_slice %arg4[%mul3A_395] : memref<13631488xf32, #tpu.memory_space<hbm>> -> memref<4096xf32, #tpu.memory_space<hbm>>
      %dma_start3A_400 = arith.constant 4096 : i32
      %dma_start3A_401 = tpu.memref_slice %arg9[%dma_start3A_400] : memref<16384xf32, #tpu.memory_space<vmem>> -> memref<4096xf32, #tpu.memory_space<vmem>>
      tpu.enqueue_dma source(%dma_start3A_401 : memref<4096xf32, #tpu.memory_space<vmem>>) target(%dma_start3A_399 : memref<4096xf32, #tpu.memory_space<hbm>>) target_semaphore(%arg13 : memref<!tpu.dma_semaphore, #tpu.memory_space<semaphore_mem>>)
      %mul3A_402 = arith.constant 512 : i32
      %mul3A_403 = arith.muli %add3A_353, %mul3A_402 : i32
      %add3A_404 = arith.addi %mul3A_2, %mul3A_403 : i32
      %shift_right_arithmetic3A_405 = arith.constant 14 : i32
      %shift_right_arithmetic3A_406 = arith.shrsi %add3A_404, %shift_right_arithmetic3A_405 : i32
      %and3A_407 = arith.constant 16383 : i32
      %and3A_408 = arith.andi %add3A_404, %and3A_407 : i32
      %shift_right_arithmetic3A_409 = arith.constant 7 : i32
      %shift_right_arithmetic3A_410 = arith.shrsi %and3A_408, %shift_right_arithmetic3A_409 : i32
      %mul3A_411 = arith.constant 4 : i32
      %mul3A_412 = arith.muli %shift_right_arithmetic3A_406, %mul3A_411 : i32
      %add3A_413 = arith.constant 2 : i32
      %add3A_414 = arith.addi %mul3A_412, %add3A_413 : i32
      %mul3A_415 = arith.constant 128 : i32
      %mul3A_416 = arith.muli %add3A_414, %mul3A_415 : i32
      %add3A_417 = arith.addi %mul3A_416, %shift_right_arithmetic3A_410 : i32
      %mul3A_418 = arith.constant 1024 : i32
      %mul3A_419 = arith.muli %add3A_417, %mul3A_418 : i32
      %dma_start3A_420 = arith.constant 8192 : i32
      %dma_start3A_421 = tpu.memref_slice %arg9[%dma_start3A_420] : memref<16384xf32, #tpu.memory_space<vmem>> -> memref<4096xf32, #tpu.memory_space<vmem>>
      %dma_start3A_422 = tpu.memref_slice %arg4[%mul3A_419] : memref<13631488xf32, #tpu.memory_space<hbm>> -> memref<4096xf32, #tpu.memory_space<hbm>>
      %dma_start3A_423 = tpu.memref_slice %arg4[%mul3A_419] : memref<13631488xf32, #tpu.memory_space<hbm>> -> memref<4096xf32, #tpu.memory_space<hbm>>
      %dma_start3A_424 = arith.constant 8192 : i32
      %dma_start3A_425 = tpu.memref_slice %arg9[%dma_start3A_424] : memref<16384xf32, #tpu.memory_space<vmem>> -> memref<4096xf32, #tpu.memory_space<vmem>>
      tpu.enqueue_dma source(%dma_start3A_425 : memref<4096xf32, #tpu.memory_space<vmem>>) target(%dma_start3A_423 : memref<4096xf32, #tpu.memory_space<hbm>>) target_semaphore(%arg13 : memref<!tpu.dma_semaphore, #tpu.memory_space<semaphore_mem>>)
      %mul3A_426 = arith.constant 512 : i32
      %mul3A_427 = arith.muli %add3A_353, %mul3A_426 : i32
      %add3A_428 = arith.addi %mul3A_2, %mul3A_427 : i32
      %shift_right_arithmetic3A_429 = arith.constant 14 : i32
      %shift_right_arithmetic3A_430 = arith.shrsi %add3A_428, %shift_right_arithmetic3A_429 : i32
      %and3A_431 = arith.constant 16383 : i32
      %and3A_432 = arith.andi %add3A_428, %and3A_431 : i32
      %shift_right_arithmetic3A_433 = arith.constant 7 : i32
      %shift_right_arithmetic3A_434 = arith.shrsi %and3A_432, %shift_right_arithmetic3A_433 : i32
      %mul3A_435 = arith.constant 4 : i32
      %mul3A_436 = arith.muli %shift_right_arithmetic3A_430, %mul3A_435 : i32
      %add3A_437 = arith.constant 3 : i32
      %add3A_438 = arith.addi %mul3A_436, %add3A_437 : i32
      %mul3A_439 = arith.constant 128 : i32
      %mul3A_440 = arith.muli %add3A_438, %mul3A_439 : i32
      %add3A_441 = arith.addi %mul3A_440, %shift_right_arithmetic3A_434 : i32
      %mul3A_442 = arith.constant 1024 : i32
      %mul3A_443 = arith.muli %add3A_441, %mul3A_442 : i32
      %dma_start3A_444 = arith.constant 12288 : i32
      %dma_start3A_445 = tpu.memref_slice %arg9[%dma_start3A_444] : memref<16384xf32, #tpu.memory_space<vmem>> -> memref<4096xf32, #tpu.memory_space<vmem>>
      %dma_start3A_446 = tpu.memref_slice %arg4[%mul3A_443] : memref<13631488xf32, #tpu.memory_space<hbm>> -> memref<4096xf32, #tpu.memory_space<hbm>>
      %dma_start3A_447 = tpu.memref_slice %arg4[%mul3A_443] : memref<13631488xf32, #tpu.memory_space<hbm>> -> memref<4096xf32, #tpu.memory_space<hbm>>
      %dma_start3A_448 = arith.constant 12288 : i32
      %dma_start3A_449 = tpu.memref_slice %arg9[%dma_start3A_448] : memref<16384xf32, #tpu.memory_space<vmem>> -> memref<4096xf32, #tpu.memory_space<vmem>>
      tpu.enqueue_dma source(%dma_start3A_449 : memref<4096xf32, #tpu.memory_space<vmem>>) target(%dma_start3A_447 : memref<4096xf32, #tpu.memory_space<hbm>>) target_semaphore(%arg13 : memref<!tpu.dma_semaphore, #tpu.memory_space<semaphore_mem>>)
    }
    %scan3A_25 = arith.constant 13 : i32
    %add3A_26 = arith.constant 12800 : i32
    %add3A_27 = arith.addi %mul3A_2, %add3A_26 : i32
    %shift_right_arithmetic3A_28 = arith.constant 14 : i32
    %shift_right_arithmetic3A_29 = arith.shrsi %add3A_27, %shift_right_arithmetic3A_28 : i32
    %and3A_30 = arith.constant 16383 : i32
    %and3A_31 = arith.andi %add3A_27, %and3A_30 : i32
    %shift_right_arithmetic3A_32 = arith.constant 7 : i32
    %shift_right_arithmetic3A_33 = arith.shrsi %and3A_31, %shift_right_arithmetic3A_32 : i32
    %mul3A_34 = arith.constant 4 : i32
    %mul3A_35 = arith.muli %shift_right_arithmetic3A_29, %mul3A_34 : i32
    %add3A_36 = arith.constant 0 : i32
    %add3A_37 = arith.addi %mul3A_35, %add3A_36 : i32
    %mul3A_38 = arith.constant 128 : i32
    %mul3A_39 = arith.muli %add3A_37, %mul3A_38 : i32
    %add3A_40 = arith.addi %mul3A_39, %shift_right_arithmetic3A_33 : i32
    %mul3A_41 = arith.constant 1024 : i32
    %mul3A_42 = arith.muli %add3A_40, %mul3A_41 : i32
    %dma_wait3A = arith.constant 0 : i32
    %dma_wait3A_43 = tpu.memref_slice %arg9[%dma_wait3A] : memref<16384xf32, #tpu.memory_space<vmem>> -> memref<4096xf32, #tpu.memory_space<vmem>>
    %dma_wait3A_44 = tpu.memref_slice %arg4[%mul3A_42] : memref<13631488xf32, #tpu.memory_space<hbm>> -> memref<4096xf32, #tpu.memory_space<hbm>>
    %dma_wait3A_45 = tpu.memref_slice %arg4[%mul3A_42] : memref<13631488xf32, #tpu.memory_space<hbm>> -> memref<4096xf32, #tpu.memory_space<hbm>>
    %dma_wait3A_46 = arith.constant 0 : i32
    %dma_wait3A_47 = tpu.memref_slice %arg9[%dma_wait3A_46] : memref<16384xf32, #tpu.memory_space<vmem>> -> memref<4096xf32, #tpu.memory_space<vmem>>
    tpu.wait_dma2 semaphore(%arg13 : memref<!tpu.dma_semaphore, #tpu.memory_space<semaphore_mem>>) src(%dma_wait3A_47 : memref<4096xf32, #tpu.memory_space<vmem>>) dst(%dma_wait3A_45 : memref<4096xf32, #tpu.memory_space<hbm>>)
    %add3A_48 = arith.constant 12800 : i32
    %add3A_49 = arith.addi %mul3A_2, %add3A_48 : i32
    %shift_right_arithmetic3A_50 = arith.constant 14 : i32
    %shift_right_arithmetic3A_51 = arith.shrsi %add3A_49, %shift_right_arithmetic3A_50 : i32
    %and3A_52 = arith.constant 16383 : i32
    %and3A_53 = arith.andi %add3A_49, %and3A_52 : i32
    %shift_right_arithmetic3A_54 = arith.constant 7 : i32
    %shift_right_arithmetic3A_55 = arith.shrsi %and3A_53, %shift_right_arithmetic3A_54 : i32
    %mul3A_56 = arith.constant 4 : i32
    %mul3A_57 = arith.muli %shift_right_arithmetic3A_51, %mul3A_56 : i32
    %add3A_58 = arith.constant 1 : i32
    %add3A_59 = arith.addi %mul3A_57, %add3A_58 : i32
    %mul3A_60 = arith.constant 128 : i32
    %mul3A_61 = arith.muli %add3A_59, %mul3A_60 : i32
    %add3A_62 = arith.addi %mul3A_61, %shift_right_arithmetic3A_55 : i32
    %mul3A_63 = arith.constant 1024 : i32
    %mul3A_64 = arith.muli %add3A_62, %mul3A_63 : i32
    %dma_wait3A_65 = arith.constant 4096 : i32
    %dma_wait3A_66 = tpu.memref_slice %arg9[%dma_wait3A_65] : memref<16384xf32, #tpu.memory_space<vmem>> -> memref<4096xf32, #tpu.memory_space<vmem>>
    %dma_wait3A_67 = tpu.memref_slice %arg4[%mul3A_64] : memref<13631488xf32, #tpu.memory_space<hbm>> -> memref<4096xf32, #tpu.memory_space<hbm>>
    %dma_wait3A_68 = tpu.memref_slice %arg4[%mul3A_64] : memref<13631488xf32, #tpu.memory_space<hbm>> -> memref<4096xf32, #tpu.memory_space<hbm>>
    %dma_wait3A_69 = arith.constant 4096 : i32
    %dma_wait3A_70 = tpu.memref_slice %arg9[%dma_wait3A_69] : memref<16384xf32, #tpu.memory_space<vmem>> -> memref<4096xf32, #tpu.memory_space<vmem>>
    tpu.wait_dma2 semaphore(%arg13 : memref<!tpu.dma_semaphore, #tpu.memory_space<semaphore_mem>>) src(%dma_wait3A_70 : memref<4096xf32, #tpu.memory_space<vmem>>) dst(%dma_wait3A_68 : memref<4096xf32, #tpu.memory_space<hbm>>)
    %add3A_71 = arith.constant 12800 : i32
    %add3A_72 = arith.addi %mul3A_2, %add3A_71 : i32
    %shift_right_arithmetic3A_73 = arith.constant 14 : i32
    %shift_right_arithmetic3A_74 = arith.shrsi %add3A_72, %shift_right_arithmetic3A_73 : i32
    %and3A_75 = arith.constant 16383 : i32
    %and3A_76 = arith.andi %add3A_72, %and3A_75 : i32
    %shift_right_arithmetic3A_77 = arith.constant 7 : i32
    %shift_right_arithmetic3A_78 = arith.shrsi %and3A_76, %shift_right_arithmetic3A_77 : i32
    %mul3A_79 = arith.constant 4 : i32
    %mul3A_80 = arith.muli %shift_right_arithmetic3A_74, %mul3A_79 : i32
    %add3A_81 = arith.constant 2 : i32
    %add3A_82 = arith.addi %mul3A_80, %add3A_81 : i32
    %mul3A_83 = arith.constant 128 : i32
    %mul3A_84 = arith.muli %add3A_82, %mul3A_83 : i32
    %add3A_85 = arith.addi %mul3A_84, %shift_right_arithmetic3A_78 : i32
    %mul3A_86 = arith.constant 1024 : i32
    %mul3A_87 = arith.muli %add3A_85, %mul3A_86 : i32
    %dma_wait3A_88 = arith.constant 8192 : i32
    %dma_wait3A_89 = tpu.memref_slice %arg9[%dma_wait3A_88] : memref<16384xf32, #tpu.memory_space<vmem>> -> memref<4096xf32, #tpu.memory_space<vmem>>
    %dma_wait3A_90 = tpu.memref_slice %arg4[%mul3A_87] : memref<13631488xf32, #tpu.memory_space<hbm>> -> memref<4096xf32, #tpu.memory_space<hbm>>
    %dma_wait3A_91 = tpu.memref_slice %arg4[%mul3A_87] : memref<13631488xf32, #tpu.memory_space<hbm>> -> memref<4096xf32, #tpu.memory_space<hbm>>
    %dma_wait3A_92 = arith.constant 8192 : i32
    %dma_wait3A_93 = tpu.memref_slice %arg9[%dma_wait3A_92] : memref<16384xf32, #tpu.memory_space<vmem>> -> memref<4096xf32, #tpu.memory_space<vmem>>
    tpu.wait_dma2 semaphore(%arg13 : memref<!tpu.dma_semaphore, #tpu.memory_space<semaphore_mem>>) src(%dma_wait3A_93 : memref<4096xf32, #tpu.memory_space<vmem>>) dst(%dma_wait3A_91 : memref<4096xf32, #tpu.memory_space<hbm>>)
    %add3A_94 = arith.constant 12800 : i32
    %add3A_95 = arith.addi %mul3A_2, %add3A_94 : i32
    %shift_right_arithmetic3A_96 = arith.constant 14 : i32
    %shift_right_arithmetic3A_97 = arith.shrsi %add3A_95, %shift_right_arithmetic3A_96 : i32
    %and3A_98 = arith.constant 16383 : i32
    %and3A_99 = arith.andi %add3A_95, %and3A_98 : i32
    %shift_right_arithmetic3A_100 = arith.constant 7 : i32
    %shift_right_arithmetic3A_101 = arith.shrsi %and3A_99, %shift_right_arithmetic3A_100 : i32
    %mul3A_102 = arith.constant 4 : i32
    %mul3A_103 = arith.muli %shift_right_arithmetic3A_97, %mul3A_102 : i32
    %add3A_104 = arith.constant 3 : i32
    %add3A_105 = arith.addi %mul3A_103, %add3A_104 : i32
    %mul3A_106 = arith.constant 128 : i32
    %mul3A_107 = arith.muli %add3A_105, %mul3A_106 : i32
    %add3A_108 = arith.addi %mul3A_107, %shift_right_arithmetic3A_101 : i32
    %mul3A_109 = arith.constant 1024 : i32
    %mul3A_110 = arith.muli %add3A_108, %mul3A_109 : i32
    %dma_wait3A_111 = arith.constant 12288 : i32
    %dma_wait3A_112 = tpu.memref_slice %arg9[%dma_wait3A_111] : memref<16384xf32, #tpu.memory_space<vmem>> -> memref<4096xf32, #tpu.memory_space<vmem>>
    %dma_wait3A_113 = tpu.memref_slice %arg4[%mul3A_110] : memref<13631488xf32, #tpu.memory_space<hbm>> -> memref<4096xf32, #tpu.memory_space<hbm>>
    %dma_wait3A_114 = tpu.memref_slice %arg4[%mul3A_110] : memref<13631488xf32, #tpu.memory_space<hbm>> -> memref<4096xf32, #tpu.memory_space<hbm>>
    %dma_wait3A_115 = arith.constant 12288 : i32
    %dma_wait3A_116 = tpu.memref_slice %arg9[%dma_wait3A_115] : memref<16384xf32, #tpu.memory_space<vmem>> -> memref<4096xf32, #tpu.memory_space<vmem>>
    tpu.wait_dma2 semaphore(%arg13 : memref<!tpu.dma_semaphore, #tpu.memory_space<semaphore_mem>>) src(%dma_wait3A_116 : memref<4096xf32, #tpu.memory_space<vmem>>) dst(%dma_wait3A_114 : memref<4096xf32, #tpu.memory_space<hbm>>)
    return
  }
}

module attributes {stable_mosaic.version = 14 : i64} {
  func.func @_pack_body(%arg0: i32, %arg1: memref<32x8192xf32, #tpu.memory_space<vmem>>, %arg2: memref<32x8192xf32, #tpu.memory_space<vmem>>, %arg3: memref<32x8192xf32, #tpu.memory_space<vmem>>, %arg4: memref<32x8192xf32, #tpu.memory_space<vmem>>, %arg5: memref<8192x128xf32, #tpu.memory_space<vmem>>) attributes {dimension_semantics = [#tpu.dimension_semantics<arbitrary>], iteration_bounds = array<i64: 32>, scalar_prefetch = 0 : i64, scratch_operands = 0 : i64, tpu.core_type = #tpu.core_type<tc>, window_params = [{transform_indices = @transform_0, window_bounds = array<i64: 32, 8192>}, {transform_indices = @transform_1, window_bounds = array<i64: 32, 8192>}, {transform_indices = @transform_2, window_bounds = array<i64: 32, 8192>}, {transform_indices = @transform_3, window_bounds = array<i64: 32, 8192>}, {transform_indices = @transform_4, window_bounds = array<i64: 8192, 128>}]} {
    %get3A = arith.constant 0 : index
    %get3A_0 = arith.constant 0 : index
    %get3A_1 = vector.load %arg1[%get3A, %get3A_0] : memref<32x8192xf32, #tpu.memory_space<vmem>>, vector<32x8192xf32>
    %get3A_2 = arith.constant 0 : index
    %get3A_3 = arith.constant 0 : index
    %get3A_4 = vector.load %arg2[%get3A_2, %get3A_3] : memref<32x8192xf32, #tpu.memory_space<vmem>>, vector<32x8192xf32>
    %get3A_5 = arith.constant 0 : index
    %get3A_6 = arith.constant 0 : index
    %get3A_7 = vector.load %arg3[%get3A_5, %get3A_6] : memref<32x8192xf32, #tpu.memory_space<vmem>>, vector<32x8192xf32>
    %get3A_8 = arith.constant 0 : index
    %get3A_9 = arith.constant 0 : index
    %get3A_10 = vector.load %arg4[%get3A_8, %get3A_9] : memref<32x8192xf32, #tpu.memory_space<vmem>>, vector<32x8192xf32>
    %concatenate3A = tpu.concatenate %get3A_1, %get3A_4, %get3A_7, %get3A_10 in 0 : vector<32x8192xf32>, vector<32x8192xf32>, vector<32x8192xf32>, vector<32x8192xf32> -> vector<128x8192xf32>
    %transpose3A = tpu.transpose %concatenate3A, [1, 0] : vector<128x8192xf32> -> vector<8192x128xf32>
    %swap3A = arith.constant 0 : index
    %swap3A_11 = arith.constant 0 : index
    %swap3A_12 = vector.load %arg5[%swap3A, %swap3A_11] : memref<8192x128xf32, #tpu.memory_space<vmem>>, vector<8192x128xf32>
    tpu.vector_store %arg5[%swap3A, %swap3A_11], %transpose3A {strides = array<i32>} : memref<8192x128xf32, #tpu.memory_space<vmem>>, vector<8192x128xf32>,
    return
  }
  func.func @transform_0(%arg0: i32) -> (i32, i32) {
    %add3A = arith.constant 0 : i32
    %add3A_0 = arith.addi %add3A, %arg0 : i32
    %min3A = arith.constant 122 : i32
    %min3A_1 = arith.minsi %add3A_0, %min3A : i32
    %c0_i32 = arith.constant 0 : i32
    %c0_i32_2 = arith.constant 0 : i32
    return %c0_i32, %min3A_1 : i32, i32
  }
  func.func @transform_1(%arg0: i32) -> (i32, i32) {
    %add3A = arith.constant 32 : i32
    %add3A_0 = arith.addi %add3A, %arg0 : i32
    %min3A = arith.constant 122 : i32
    %min3A_1 = arith.minsi %add3A_0, %min3A : i32
    %c0_i32 = arith.constant 0 : i32
    %c0_i32_2 = arith.constant 0 : i32
    return %c0_i32, %min3A_1 : i32, i32
  }
  func.func @transform_2(%arg0: i32) -> (i32, i32) {
    %add3A = arith.constant 64 : i32
    %add3A_0 = arith.addi %add3A, %arg0 : i32
    %min3A = arith.constant 122 : i32
    %min3A_1 = arith.minsi %add3A_0, %min3A : i32
    %c0_i32 = arith.constant 0 : i32
    %c0_i32_2 = arith.constant 0 : i32
    return %c0_i32, %min3A_1 : i32, i32
  }
  func.func @transform_3(%arg0: i32) -> (i32, i32) {
    %add3A = arith.constant 96 : i32
    %add3A_0 = arith.addi %add3A, %arg0 : i32
    %min3A = arith.constant 122 : i32
    %min3A_1 = arith.minsi %add3A_0, %min3A : i32
    %c0_i32 = arith.constant 0 : i32
    %c0_i32_2 = arith.constant 0 : i32
    return %c0_i32, %min3A_1 : i32, i32
  }
  func.func @transform_4(%arg0: i32) -> (i32, i32) {
    %c0_i32 = arith.constant 0 : i32
    %c0_i32_0 = arith.constant 0 : i32
    return %arg0, %c0_i32 : i32, i32
  }
}

</mosaic_0001>

<sc_bundles>
// kernel: kernel.4.cloned.1.call-start
scs
__scs_entry_jumppad:
0x0: {  	(pc) =	sbr.rel $0x88, $3  }
0x1: {  	(tag) =	ssettag $0x0;
	lr =	simm.s32 $0x1  }
0x2: {  	[smem:$0x3F9F] =	sst lr;
	_ =	strace $0xD0000000  }
0x3: {  	_ = 	snop  }
0x4: {  	_ = 	snop  }
0x5: {  	_ = 	snop  }
0x6: {  	_ = 	snop  }
0x7: {  	_ = 	snop  }
__scs_overlays_trampoline_lowered:
0x8: {  	[smem:$0x3FAE] =	sst s0  }
0x9: {  	[smem:$0x3FAF] =	sst s1  }
0xa: {  	[smem:$0x3FB0] =	sst s2  }
0xb: {  	[smem:$0x3FB1] =	sst s3  }
0xc: {  	[smem:$0x3FB2] =	sst s4  }
0xd: {  	[smem:$0x3FB3] =	sst s5  }
0xe: {  	[smem:$0x3FB4] =	sst s6  }
0xf: {  	[smem:$0x3FB5] =	sst s7  }
0x10: {  	[smem:$0x3FB6] =	sst s8  }
0x11: {  	[smem:$0x3FB7] =	sst s9;
	s0 =	simm.s32 @!p0 $0x0  }
0x12: {  	s1 =	sld [smem:$0x3F9D];
	s0 =	simm.s32 @p0 $0x1  }
0x13: {  	[smem:$0x3FB8] =	sst s0;
	s0 =	simm.s32 @!p1 $0x0  }
0x14: {  	s2 =	sld [smem:$0x3F9C];
	s0 =	simm.s32 @p1 $0x1  }
0x15: {  	[smem:$0x3FB9] =	sst s0;
	s0 =	simm.s32 @!p2 $0x0  }
0x16: {  	s3 =	sld [smem:$0x3FDB];
	s0 =	simm.s32 @p2 $0x1  }
0x17: {  	s4 =	simm.s32 $0x1BF5;
	[smem:$0x3FBB] =	sst s0  }
0x18: {  	s0 =	sld [smem:$0x3F9E];
	_ =	swait.ge [sflag:s4], $0x0  }
0x19: {  	s7 =	sld [smem:$0x3F9F]  }
0x1a: {  	s8 =	sadd.s32 $0xFFFFE003, lr  }
0x1b: {  	s9 =	sadd.s32 $0xFFFFFEF7, lr;
	s5 =	simm.s32 $0xFFFFFFFF;
	p2 =	slt.u32 s8, $0xFFFFF086  }
0x1c: {  	p1 =	slt.u32 s9, $0xF7A;
	s5 =	simm.s32 @!p2 $0x0  }
0x1d: {  	s5 =	simm.s32 @p1 $0x1;
	p0 =	seq.s32 s7, s2  }
0x1e: {  	s7 =	smul.u32 @!p0 $0xF7A, s2;
	p2 =	seq.s32 @!p0 s5, $0x0  }
0x1f: {  	s9 =	smul.u32 $0xF7A, s1;
	s8 =	simm.s32 @!p0 $0x1BF5;
	p2 =	por !p2, p0  }
0x20: {  	[sflag:s8] =	ssyncset.s32 @!p0 $0xFFFFF086;
	s6 =	sadd.s32 @!p0 s3, s7;
	s7 =	simm.s32 @!p0 $0x108  }
0x21: {  	s3 =	sadd.s32 s3, s9;
	s6 =	sadd.s32 @!p0 $0x88, s6;
	s7 =	simm.s32 @p2 $0x1082  }
0x22: {  	[simem:s7], [sflag:s8] =	dma.local @!p0 [hbm:s6], $0xF7A  }
0x23: {  	s9 =	sor.u32 $0xD0000000, s2;
	s6 =	simm.s32 $0x108;
	_ =	swait.ge @!p0 [sflag:s8], $0x0  }
0x24: {  	s3 =	sadd.s32 $0x88, s3;
	s6 =	simm.s32 @!p1 $0x1082;
	[sflag:s4] =	ssyncset.s32 $0xFFFFF086  }
0x25: {  	[simem:s6], [sflag:s4] =	dma.local [hbm:s3], $0xF7A  }
0x26: {  	[smem:$0x3F9F] =	sst s1;
	(tag) =	ssettag s2;
	_ =	strace s9  }
0x27: {  	s1 =	sld [smem:$0x3FAF]  }
0x28: {  	s2 =	sld [smem:$0x3FB0]  }
0x29: {  	s4 =	sld [smem:$0x3FB2]  }
0x2a: {  	p0 =	seq.s32 s5, $0x0;
	s5 =	sld [smem:$0x3FB3]  }
0x2b: {  	s6 =	sld [smem:$0x3FB4]  }
0x2c: {  	s7 =	sld [smem:$0x3FB5]  }
0x2d: {  	s3 =	simm.s32 $0x108;
	s8 =	sld [smem:$0x3FB6]  }
0x2e: {  	s3 =	simm.s32 @!p0 $0x1082;
	s9 =	sld [smem:$0x3FB7]  }
0x2f: {  	lr =	sadd.s32 s0, s3;
	s0 =	sld [smem:$0x3FAE]  }
0x30: {  	s3 =	sld [smem:$0x3FB1]  }
0x31: {  	[smem:$0x3FBA] =	sst s10  }
0x32: {  	s10 =	sld [smem:$0x3FB8];
	_ =	sdelay $0x3  }
0x33: {  	p0 =	seq.s32 s10, $0x1;
	s10 =	sld [smem:$0x3FBA];
	_ =	sdelay $0x3  }
0x34: {  	[smem:$0x3FBA] =	sst s10  }
0x35: {  	s10 =	sld [smem:$0x3FB9];
	_ =	sdelay $0x3  }
0x36: {  	p1 =	seq.s32 s10, $0x1;
	s10 =	sld [smem:$0x3FBA];
	_ =	sdelay $0x3  }
0x37: {  	[smem:$0x3FBA] =	sst s10  }
0x38: {  	s10 =	sld [smem:$0x3FBB]  }
0x39: {  	_ = 	snop;
	(pc) =	sbr.ind lr, $3  }
0x3a: {  	_ = 	snop  }
0x3b: {  	_ = 	snop  }
0x3c: {  	p2 =	seq.s32 s10, $0x1;
	s10 =	sld [smem:$0x3FBA]  }
0x3d: {  	_ =	shalt  }
0x3e: {  	_ =	shalt  }
0x3f: {  	_ =	shalt  }
0x40: {  	_ =	shalt  }
0x41: {  	_ =	shalt  }
0x42: {  	_ =	shalt  }
0x43: {  	_ =	shalt  }
0x44: {  	_ =	shalt  }
0x45: {  	_ =	shalt  }
0x46: {  	_ =	shalt  }
0x47: {  	_ =	shalt  }
0x48: {  	_ =	shalt  }
0x49: {  	_ =	shalt  }
0x4a: {  	_ =	shalt  }
0x4b: {  	_ =	shalt  }
0x4c: {  	_ =	shalt  }
0x4d: {  	_ =	shalt  }
0x4e: {  	_ =	shalt  }
0x4f: {  	_ =	shalt  }
0x50: {  	_ =	shalt  }
0x51: {  	_ =	shalt  }
0x52: {  	_ =	shalt  }
0x53: {  	_ =	shalt  }
0x54: {  	_ =	shalt  }
0x55: {  	_ =	shalt  }
0x56: {  	_ =	shalt  }
0x57: {  	_ =	shalt  }
0x58: {  	_ =	shalt  }
0x59: {  	_ =	shalt  }
0x5a: {  	_ =	shalt  }
0x5b: {  	_ =	shalt  }
0x5c: {  	_ =	shalt  }
0x5d: {  	_ =	shalt  }
0x5e: {  	_ =	shalt  }
0x5f: {  	_ =	shalt  }
0x60: {  	_ =	shalt  }
0x61: {  	_ =	shalt  }
0x62: {  	_ =	shalt  }
0x63: {  	_ =	shalt  }
0x64: {  	_ =	shalt  }
0x65: {  	_ =	shalt  }
0x66: {  	_ =	shalt  }
0x67: {  	_ =	shalt  }
0x68: {  	_ =	shalt  }
0x69: {  	_ =	shalt  }
0x6a: {  	_ =	shalt  }
0x6b: {  	_ =	shalt  }
0x6c: {  	_ =	shalt  }
0x6d: {  	_ =	shalt  }
0x6e: {  	_ =	shalt  }
0x6f: {  	_ =	shalt  }
0x70: {  	_ =	shalt  }
0x71: {  	_ =	shalt  }
0x72: {  	_ =	shalt  }
0x73: {  	_ =	shalt  }
0x74: {  	_ =	shalt  }
0x75: {  	_ =	shalt  }
0x76: {  	_ =	shalt  }
0x77: {  	_ =	shalt  }
0x78: {  	_ =	shalt  }
0x79: {  	_ =	shalt  }
0x7a: {  	_ =	shalt  }
0x7b: {  	_ =	shalt  }
0x7c: {  	_ =	shalt  }
0x7d: {  	_ =	shalt  }
0x7e: {  	_ =	shalt  }
0x7f: {  	_ =	shalt  }
0x80: {  	_ =	shalt  }
0x81: {  	_ =	shalt  }
0x82: {  	_ =	shalt  }
0x83: {  	_ =	shalt  }
0x84: {  	_ =	shalt  }
0x85: {  	_ =	shalt  }
0x86: {  	_ =	shalt  }
0x87: {  	_ =	shalt  }
.Lfunc_end0:
.L_simem_size_0:
called_computation_lowered:
.L_overlay_start_0:
0x88: {  	s2 =	sld [smem:$0x3FD9]  }
0x89: {  	s3 =	sld [smem:$0x3FFE];
	_ =	sdelay $0x1  }
0x8a: {  	s1 =	srdreg.scid  }
0x8b: {  	s0 =	sand.u32 $0x1, s1  }
0x8c: {  	s17 =	sshll.u32 s0, $0xA;
	s2 =	sadd.s32 s3, s2  }
0x8d: {  	s2 =	sadd.s32 s2, s17  }
0x8e: {  	[smem:$0x3FC6] =	sst s2  }
0x8f: {  	_ = 	snop  }
0x90: {  	s2 =	sld [smem:$0x3FD0];
	(tm) =	ssettm $0x1  }
0x91: {  	s18 =	sld [smem:$0x3FFB];
	_ =	sdelay $0x3  }
0x92: {  	_ =	strace s18  }
0x93: {  	s3 =	sld [smem:$0x3FFC];
	_ =	sdelay $0x3  }
0x94: {  	_ =	strace s3  }
0x95: {  	s3 =	sld [smem:$0x3FFD];
	_ =	sdelay $0x3  }
0x96: {  	_ =	strace s3  }
0x97: {  	_ =	strace $0x8FFFFFFF  }
0x98: {  	s19 =	sld [smem:$0x3FDB];
	_ =	sdelay $0x1  }
0x99: {  	s4 =	simm.s32 $_scs_section_size  }
0x9a: {  	s5 =	simm.s32 $_size__tile_overlayer_lowered;
	s6 =	simm.s32 $_tile_overlayer_lowered  }
0x9b: {  	s22 =	simm.s32 $0x1BFF;
	s21 =	sshll.u32 s6, $0x1;
	s3 =	sadd.s32 s4, s19  }
0x9c: {  	s7 =	simm.s32 $0x0;
	s20 =	sshll.u32 s5, $0x1;
	s5 =	sadd.s32 s21, s3  }
0x9d: {  	[timem:s7], [sflag:s22] =	dma.local [hbm:s5], s20  }
0x9e: {  	_ =	swait.ge [sflag:s22], s20  }
0x9f: {  	s4 =	ssub.s32 $0x0, s20;
	[sflag:s22] =	ssyncset.done $0x0  }
0xa0: {  	[sflag:s22] =	ssyncadd.s32 s4;
	_ =	sdelay $0x1  }
0xa1: {  	s23 =	simm.s32 $0x1B8B  }
0xa2: {  	_ =	swait.ge [sflag:s23], $0x1  }
0xa3: {  	[sflag:s23] =	ssyncset.done $0x0  }
0xa4: {  	s25 =	simm.s32 $0x1B8E;
	s24 =	sld [smem:$0x3FFE];
	[sflag:s23] =	ssyncadd.s32 $0xFFFFFFFF  }
0xa5: {  	s26 =	simm.s32 $execute0_lowered;
	[smem:$0x3FD2] =	sst s25  }
0xa6: {  	s5 =	sshll.u32 s26, $0x1;
	_ =	strace $0x80000046;
	[dreg:$0x1] =	wrdreg $0xFFFFFFFF  }
0xa7: {  	s28 =	simm.s32 $_size_execute0_lowered;
	s3 =	sadd.s32 s3, s5;
	[dreg:$0x0] =	wrdreg $0x0  }
0xa8: {  	s5 =	sshll.u32 s28, $0x1;
	[dreg:$0x2] =	wrdreg s3  }
0xa9: {  	[dreg:$0x3] =	wrdreg s5  }
0xaa: {  	[dreg:$0x4] =	wrdreg $0xC0  }
0xab: {  	_ =	task [dreg:s7], $0x5FFFF  }
0xac: {  	[dreg:$0x1] =	wrdreg $0xFFFFFFFF  }
0xad: {  	[dreg:$0x0] =	wrdreg $0x60  }
0xae: {  	[dreg:$0x2] =	wrdreg s24  }
0xaf: {  	[dreg:$0x3] =	wrdreg s2  }
0xb0: {  	[dreg:$0x4] =	wrdreg $0x9  }
0xb1: {  	_ =	task.clear_ibuf [dreg:s7], $0x5FFFF;
	_ =	strace $0x90000046  }
0xb2: {  	s29 =	simm.s32 $0x9;
	_ =	strace $0x80000048  }
0xb3: {  	_ =	swait.ge [sflag:s29], $0x1  }
0xb4: {  	[sflag:s29] =	ssyncadd.s32 $0xFFFFFFFF  }
0xb5: {  	_ =	strace $0x90000048  }
0xb6: {  	_ =	sfence  }
0xb7: {  	s30 =	sld [smem:$0x0];
	_ =	sdelay $0x2  }
0xb8: {  	s31 =	sshll.u32 s1, $0xD;
	s1 =	sshrl.u32 s1, $0x2  }
0xb9: {  	s3 =	sand.u32 $0x4000, s31;
	s1 =	sadd.s32 s1, s30  }
0xba: {  	s0 =	sor.u32 s3, s0;
	s1 =	sshll.u32 s1, $0x11  }
0xbb: {  	s0 =	sor.u32 s1, s0  }
0xbc: {  	s0 =	sadd.s32 $0x8F2B, s0  }
0xbd: {  	[sflag:s0] =	ssyncadd.remote.s32 $0x1  }
0xbe: {  	_ =	sfence.sel $0xFFFF  }
0xbf: {  	[dreg:$0x0] =	wrdreg $0xFFFFFFFF;
	(pc) =	sbr.abs _section_cstart, $3  }
0xc0: {  	[dreg:$0x1] =	wrdreg $0xFFFFFFFF  }
0xc1: {  	_ =	task.clear_ibuf [dreg:s7], $0x2FFFF;
	_ =	strace $0x9FFFFFFF  }
0xc2: {  	(tm) =	ssettm $0x7FFFFFFF  }
0xc3: {  	_ =	shalt  }
tec
execute0_lowered:
.L_overlay_start_1:
0x0: {  	(tag) =	ssettag $0x1  }
0x1: {  	v0 =	vimm.s32 $0x1380  }
0x2: {  	vm14 =	vcmask $0x300;
	vm13 =	vcmask $0x704;
	vm12 =	vcmask $0xB08  }
0x3: {  	vm11 =	vcmask $0xF0C;
	vm10 =	vcmask $0x1310;
	vm9 =	vcmask $0x1714  }
0x4: {  	vm8 =	vcmask $0x1B18;
	vm7 =	vcmask $0x1F1C;
	vm6 =	vcmask $0x2320  }
0x5: {  	vm5 =	vcmask $0x2724;
	vm4 =	vcmask $0x2B28;
	vm3 =	vcmask $0x2F2C  }
0x6: {  	vm2 =	vcmask $0x3330;
	vm1 =	vcmask $0x3734;
	vm0 =	vcmask $0x3B38  }
0x7: {  	v1 =	vimm.s32 $0x3380;
	v2 =	vimm.s32 $0x1381;
	v3 =	vimm.s32 $0x3381  }
0x8: {  	v4 =	vimm.s32 $0x1382;
	v5 =	vimm.s32 $0x3382;
	v6 =	vimm.s32 $0x1383  }
0x9: {  	v7 =	vimm.s32 $0x3383;
	v8 =	vimm.s32 $0x1384;
	v9 =	vimm.s32 $0x3384  }
0xa: {  	v10 =	vimm.s32 $0x1385;
	v11 =	vimm.s32 $0x3385;
	v12 =	vimm.s32 $0x1386  }
0xb: {  	v13 =	vimm.s32 $0x3386;
	v14 =	vimm.s32 $0x1387;
	v15 =	vimm.s32 $0x3387  }
0xc: {  	v0 =	vsel vm14, $0x0, v0;
	v1 =	vsel vm14, $0x2000, v1;
	v2 =	vsel vm14, $0x1, v2  }
0xd: {  	v3 =	vsel vm14, $0x2001, v3;
	v4 =	vsel vm14, $0x2, v4;
	v5 =	vsel vm14, $0x2002, v5  }
0xe: {  	v6 =	vsel vm14, $0x3, v6;
	v7 =	vsel vm14, $0x2003, v7;
	v8 =	vsel vm14, $0x4, v8  }
0xf: {  	v9 =	vsel vm14, $0x2004, v9;
	v10 =	vsel vm14, $0x5, v10;
	v11 =	vsel vm14, $0x2005, v11  }
0x10: {  	v12 =	vsel vm14, $0x6, v12;
	v13 =	vsel vm14, $0x2006, v13;
	v14 =	vsel vm14, $0x7, v14  }
0x11: {  	v15 =	vsel vm14, $0x2007, v15;
	v0 =	vsel vm13, $0x80, v0;
	v1 =	vsel vm13, $0x2080, v1  }
0x12: {  	v2 =	vsel vm13, $0x81, v2;
	v3 =	vsel vm13, $0x2081, v3;
	v4 =	vsel vm13, $0x82, v4  }
0x13: {  	v5 =	vsel vm13, $0x2082, v5;
	v6 =	vsel vm13, $0x83, v6;
	v7 =	vsel vm13, $0x2083, v7  }
0x14: {  	v8 =	vsel vm13, $0x84, v8;
	v9 =	vsel vm13, $0x2084, v9;
	v10 =	vsel vm13, $0x85, v10  }
0x15: {  	v11 =	vsel vm13, $0x2085, v11;
	v12 =	vsel vm13, $0x86, v12;
	v13 =	vsel vm13, $0x2086, v13  }
0x16: {  	v14 =	vsel vm13, $0x87, v14;
	v15 =	vsel vm13, $0x2087, v15;
	v0 =	vsel vm12, $0x100, v0  }
0x17: {  	v1 =	vsel vm12, $0x2100, v1;
	v2 =	vsel vm12, $0x101, v2;
	v3 =	vsel vm12, $0x2101, v3  }
0x18: {  	v4 =	vsel vm12, $0x102, v4;
	v5 =	vsel vm12, $0x2102, v5;
	v6 =	vsel vm12, $0x103, v6  }
0x19: {  	v7 =	vsel vm12, $0x2103, v7;
	v8 =	vsel vm12, $0x104, v8;
	v9 =	vsel vm12, $0x2104, v9  }
0x1a: {  	v10 =	vsel vm12, $0x105, v10;
	v11 =	vsel vm12, $0x2105, v11;
	v12 =	vsel vm12, $0x106, v12  }
0x1b: {  	v13 =	vsel vm12, $0x2106, v13;
	v14 =	vsel vm12, $0x107, v14;
	v15 =	vsel vm12, $0x2107, v15  }
0x1c: {  	v0 =	vsel vm11, $0x180, v0;
	v1 =	vsel vm11, $0x2180, v1;
	v2 =	vsel vm11, $0x181, v2  }
0x1d: {  	v3 =	vsel vm11, $0x2181, v3;
	v4 =	vsel vm11, $0x182, v4;
	v5 =	vsel vm11, $0x2182, v5  }
0x1e: {  	v6 =	vsel vm11, $0x183, v6;
	v7 =	vsel vm11, $0x2183, v7;
	v8 =	vsel vm11, $0x184, v8  }
0x1f: {  	v9 =	vsel vm11, $0x2184, v9;
	v10 =	vsel vm11, $0x185, v10;
	v11 =	vsel vm11, $0x2185, v11  }
0x20: {  	v12 =	vsel vm11, $0x186, v12;
	v13 =	vsel vm11, $0x2186, v13;
	v14 =	vsel vm11, $0x187, v14  }
0x21: {  	v15 =	vsel vm11, $0x2187, v15;
	v0 =	vsel vm10, $0x200, v0;
	v1 =	vsel vm10, $0x2200, v1  }
0x22: {  	v2 =	vsel vm10, $0x201, v2;
	v3 =	vsel vm10, $0x2201, v3;
	v4 =	vsel vm10, $0x202, v4  }
0x23: {  	v5 =	vsel vm10, $0x2202, v5;
	v6 =	vsel vm10, $0x203, v6;
	v7 =	vsel vm10, $0x2203, v7  }
0x24: {  	v8 =	vsel vm10, $0x204, v8;
	v9 =	vsel vm10, $0x2204, v9;
	v10 =	vsel vm10, $0x205, v10  }
0x25: {  	v11 =	vsel vm10, $0x2205, v11;
	v12 =	vsel vm10, $0x206, v12;
	v13 =	vsel vm10, $0x2206, v13  }
0x26: {  	v14 =	vsel vm10, $0x207, v14;
	v15 =	vsel vm10, $0x2207, v15;
	v0 =	vsel vm9, $0x280, v0  }
0x27: {  	v1 =	vsel vm9, $0x2280, v1;
	v2 =	vsel vm9, $0x281, v2;
	v3 =	vsel vm9, $0x2281, v3  }
0x28: {  	v4 =	vsel vm9, $0x282, v4;
	v5 =	vsel vm9, $0x2282, v5;
	v6 =	vsel vm9, $0x283, v6  }
0x29: {  	v7 =	vsel vm9, $0x2283, v7;
	v8 =	vsel vm9, $0x284, v8;
	v9 =	vsel vm9, $0x2284, v9  }
0x2a: {  	v10 =	vsel vm9, $0x285, v10;
	v11 =	vsel vm9, $0x2285, v11;
	v12 =	vsel vm9, $0x286, v12  }
0x2b: {  	v13 =	vsel vm9, $0x2286, v13;
	v14 =	vsel vm9, $0x287, v14;
	v15 =	vsel vm9, $0x2287, v15  }
0x2c: {  	v0 =	vsel vm8, $0x300, v0;
	v1 =	vsel vm8, $0x2300, v1;
	v2 =	vsel vm8, $0x301, v2  }
0x2d: {  	v3 =	vsel vm8, $0x2301, v3;
	v4 =	vsel vm8, $0x302, v4;
	v5 =	vsel vm8, $0x2302, v5  }
0x2e: {  	v6 =	vsel vm8, $0x303, v6;
	v7 =	vsel vm8, $0x2303, v7;
	v8 =	vsel vm8, $0x304, v8  }
0x2f: {  	v9 =	vsel vm8, $0x2304, v9;
	v10 =	vsel vm8, $0x305, v10;
	v11 =	vsel vm8, $0x2305, v11  }
0x30: {  	v12 =	vsel vm8, $0x306, v12;
	v13 =	vsel vm8, $0x2306, v13;
	v14 =	vsel vm8, $0x307, v14  }
0x31: {  	v15 =	vsel vm8, $0x2307, v15;
	v0 =	vsel vm7, $0x380, v0;
	v1 =	vsel vm7, $0x2380, v1  }
0x32: {  	v2 =	vsel vm7, $0x381, v2;
	v3 =	vsel vm7, $0x2381, v3;
	v4 =	vsel vm7, $0x382, v4  }
0x33: {  	v5 =	vsel vm7, $0x2382, v5;
	v6 =	vsel vm7, $0x383, v6;
	v7 =	vsel vm7, $0x2383, v7  }
0x34: {  	v8 =	vsel vm7, $0x384, v8;
	v9 =	vsel vm7, $0x2384, v9;
	v10 =	vsel vm7, $0x385, v10  }
0x35: {  	v11 =	vsel vm7, $0x2385, v11;
	v12 =	vsel vm7, $0x386, v12;
	v13 =	vsel vm7, $0x2386, v13  }
0x36: {  	v14 =	vsel vm7, $0x387, v14;
	v15 =	vsel vm7, $0x2387, v15;
	v0 =	vsel vm6, $0x1000, v0  }
0x37: {  	v1 =	vsel vm6, $0x3000, v1;
	v2 =	vsel vm6, $0x1001, v2;
	v3 =	vsel vm6, $0x3001, v3  }
0x38: {  	v4 =	vsel vm6, $0x1002, v4;
	v5 =	vsel vm6, $0x3002, v5;
	v6 =	vsel vm6, $0x1003, v6  }
0x39: {  	v7 =	vsel vm6, $0x3003, v7;
	v8 =	vsel vm6, $0x1004, v8;
	v9 =	vsel vm6, $0x3004, v9  }
0x3a: {  	v10 =	vsel vm6, $0x1005, v10;
	v11 =	vsel vm6, $0x3005, v11;
	v12 =	vsel vm6, $0x1006, v12  }
0x3b: {  	v13 =	vsel vm6, $0x3006, v13;
	v14 =	vsel vm6, $0x1007, v14;
	v15 =	vsel vm6, $0x3007, v15  }
0x3c: {  	v0 =	vsel vm5, $0x1080, v0;
	v1 =	vsel vm5, $0x3080, v1;
	v2 =	vsel vm5, $0x1081, v2  }
0x3d: {  	v3 =	vsel vm5, $0x3081, v3;
	v4 =	vsel vm5, $0x1082, v4;
	v5 =	vsel vm5, $0x3082, v5  }
0x3e: {  	v6 =	vsel vm5, $0x1083, v6;
	v7 =	vsel vm5, $0x3083, v7;
	v8 =	vsel vm5, $0x1084, v8  }
0x3f: {  	v9 =	vsel vm5, $0x3084, v9;
	v10 =	vsel vm5, $0x1085, v10;
	v11 =	vsel vm5, $0x3085, v11  }
0x40: {  	v12 =	vsel vm5, $0x1086, v12;
	v13 =	vsel vm5, $0x3086, v13;
	v14 =	vsel vm5, $0x1087, v14  }
0x41: {  	v15 =	vsel vm5, $0x3087, v15;
	v0 =	vsel vm4, $0x1100, v0;
	v1 =	vsel vm4, $0x3100, v1  }
0x42: {  	v2 =	vsel vm4, $0x1101, v2;
	v3 =	vsel vm4, $0x3101, v3;
	v4 =	vsel vm4, $0x1102, v4  }
0x43: {  	v5 =	vsel vm4, $0x3102, v5;
	v6 =	vsel vm4, $0x1103, v6;
	v7 =	vsel vm4, $0x3103, v7  }
0x44: {  	v8 =	vsel vm4, $0x1104, v8;
	v9 =	vsel vm4, $0x3104, v9;
	v10 =	vsel vm4, $0x1105, v10  }
0x45: {  	v11 =	vsel vm4, $0x3105, v11;
	v12 =	vsel vm4, $0x1106, v12;
	v13 =	vsel vm4, $0x3106, v13  }
0x46: {  	v14 =	vsel vm4, $0x1107, v14;
	v15 =	vsel vm4, $0x3107, v15;
	v0 =	vsel vm3, $0x1180, v0  }
0x47: {  	v1 =	vsel vm3, $0x3180, v1;
	v2 =	vsel vm3, $0x1181, v2;
	v3 =	vsel vm3, $0x3181, v3  }
0x48: {  	v4 =	vsel vm3, $0x1182, v4;
	v5 =	vsel vm3, $0x3182, v5;
	v6 =	vsel vm3, $0x1183, v6  }
0x49: {  	v7 =	vsel vm3, $0x3183, v7;
	v8 =	vsel vm3, $0x1184, v8;
	v9 =	vsel vm3, $0x3184, v9  }
0x4a: {  	v10 =	vsel vm3, $0x1185, v10;
	v11 =	vsel vm3, $0x3185, v11;
	v12 =	vsel vm3, $0x1186, v12  }
0x4b: {  	v13 =	vsel vm3, $0x3186, v13;
	v14 =	vsel vm3, $0x1187, v14;
	v15 =	vsel vm3, $0x3187, v15  }
0x4c: {  	v0 =	vsel vm2, $0x1200, v0;
	v1 =	vsel vm2, $0x3200, v1;
	v2 =	vsel vm2, $0x1201, v2  }
0x4d: {  	v3 =	vsel vm2, $0x3201, v3;
	v4 =	vsel vm2, $0x1202, v4;
	v5 =	vsel vm2, $0x3202, v5  }
0x4e: {  	s0 =	srdreg.scid;
	s5 =	rddreg [dreg:$0x0];
	v6 =	vsel vm2, $0x1203, v6;
	v7 =	vsel vm2, $0x3203, v7;
	v8 =	vsel vm2, $0x1204, v8  }
0x4f: {  	s1 =	stileid.u32;
	s2 =	rddreg [dreg:$0x1];
	v9 =	vsel vm2, $0x3204, v9;
	v10 =	vsel vm2, $0x1205, v10;
	v11 =	vsel vm2, $0x3205, v11  }
0x50: {  	s4 =	simm.s32 $0x0;
	s11 =	simm.s32 $0x5;
	s12 =	simm.s32 $0x200;
	v12 =	vsel vm2, $0x1206, v12;
	v13 =	vsel vm2, $0x3206, v13;
	v14 =	vsel vm2, $0x1207, v14  }
0x51: {  	s14 =	simm.s32 $0x1;
	s15 =	simm.s32 $0x7400;
	s16 =	simm.s32 $0xB400;
	v15 =	vsel vm2, $0x3207, v15;
	v0 =	vsel vm1, $0x1280, v0;
	v1 =	vsel vm1, $0x3280, v1  }
0x52: {  	s17 =	simm.s32 $0xC400;
	s18 =	simm.s32 $0xD400;
	s19 =	simm.s32 $0xE400;
	v2 =	vsel vm1, $0x1281, v2;
	v3 =	vsel vm1, $0x3281, v3;
	v4 =	vsel vm1, $0x1282, v4  }
0x53: {  	s20 =	simm.s32 $0x2;
	s21 =	simm.s32 $0xF400;
	s22 =	simm.s32 $0x3;
	v5 =	vsel vm1, $0x3282, v5;
	v6 =	vsel vm1, $0x1283, v6;
	v7 =	vsel vm1, $0x3283, v7  }
0x54: {  	s23 =	simm.s32 $0x10400;
	s0 =	sand.u32 $0x1, s0;
	s1 =	sshll.u32 s1, $0x1;
	v8 =	vsel vm1, $0x1284, v8;
	v9 =	vsel vm1, $0x3284, v9;
	v10 =	vsel vm1, $0x1285, v10  }
0x55: {  	s24 =	simm.s32 $0x11400;
	s25 =	simm.s32 $0x12400;
	s1 =	sor.u32 s0, s1;
	v11 =	vsel vm1, $0x3285, v11;
	v12 =	vsel vm1, $0x1286, v12;
	v13 =	vsel vm1, $0x3286, v13  }
0x56: {  	s26 =	simm.s32 $0x4;
	s0 =	ssub.s32 $0x2, s0;
	s3 =	smul.u32 $0x3400, s1;
	v14 =	vsel vm1, $0x1287, v14;
	v15 =	vsel vm1, $0x3287, v15;
	v0 =	vsel vm0, $0x1300, v0  }
0x57: {  	s28 =	simm.s32 $0x0;
	[smem:$0x7FF] =	sst s4;
	s6 =	sshrl.u32 s0, $0x1;
	v1 =	vsel vm0, $0x3300, v1;
	v2 =	vsel vm0, $0x1301, v2;
	v3 =	vsel vm0, $0x3301, v3  }
0x58: {  	s7 =	sadd.s32 $0x4000, s2;
	s0 =	ssub.s32 s0, s6;
	s1 =	sshrl.u32 s3, $0x3;
	v4 =	vsel vm0, $0x1302, v4;
	v5 =	vsel vm0, $0x3302, v5;
	v6 =	vsel vm0, $0x1303, v6  }
0x59: {  	s8 =	sadd.s32 $0x8000, s2;
	s0 =	smax.u32 s0, $0x1;
	s1 =	sadd.s32 s1, s5;
	v7 =	vsel vm0, $0x3303, v7;
	v8 =	vsel vm0, $0x1304, v8;
	v9 =	vsel vm0, $0x3304, v9  }
0x5a: {  	_ =	strace $0x80000047;
	[dreg:$0x4] =	wrdreg s0;
	s1 =	sadd.s32 $0x400, s1;
	v10 =	vsel vm0, $0x1305, v10;
	v11 =	vsel vm0, $0x3305, v11;
	v12 =	vsel vm0, $0x1306, v12  }
0x5b: {  	s9 =	sadd.s32 $0xC000, s2;
	s5 =	sadd.s32 $0xD400, s5;
	[dreg:$0x3] =	wrdreg s1;
	v13 =	vsel vm0, $0x3306, v13;
	v14 =	vsel vm0, $0x1307, v14;
	v15 =	vsel vm0, $0x3307, v15  }
.LBB2_1:
0x5c: {  	s0 =	rddreg [dreg:$0x3]  }
0x5d: {  	[tilespmem:s4], [sflag:$0x5] =	stream.linear.gather [hbm4b:s0+s4], $0x3400, $0x38;
	[tilespmem:$0x13400] =	vst v63  }
0x5e: {  	_ =	swait.ge [sflag:s11], $0x3400  }
0x5f: {  	[sflag:s11] =	ssyncset.done $0x0  }
0x60: {  	s31 =	simm.s32 $0x3400;
	s29 =	simm.s32 $0x0;
	[sflag:s11] =	ssyncadd.s32 $0xFFFFCC00  }
0x61: {  	[tilespmem:s31], [sflag:$0x1] =	stream.indirect.gather [hbm4b:s5+s12], $0x20, s4, s12, $0xb8;
	[tilespmem:$0x13400] =	vst v63  }
.LBB2_2:
0x62: {  	_ =	swait.ge [sflag:s14], $0x4000  }
0x63: {  	s31 =	sshll.u32 s29, $0xA;
	s0 =	simm.s32 $0x0;
	s1 =	simm.s32 $0x3480  }
0x64: {  	[sflag:s14] =	ssyncset.done $0x0;
	s6 =	sand.u32 $0xC00, s0;
	s0 =	sand.u32 $0x78, s0  }
0x65: {  	s30 =	sor.u32 $0x200, s31;
	[sflag:s14] =	ssyncadd.s32 $0xFFFFC000;
	s6 =	sor.u32 s0, s6  }
0x66: {  	[tilespmem:s15], [sflag:$0x2] =	stream.indirect.gather [hbm4b:s5+s12], $0x20, s30, s12, $0xb8;
	[tilespmem:$0x13400] =	vst v63  }
0x67: {  	v16 =	vor.u32 s6, v0;
	v17 =	vld [tilespmem:s1+$0xFFFFFF80];
	_ =	sdelay $0x4  }
0x68: {  	[tilespmem:v16+s16+$0x0] =	vst.idx.msk $0xffff, v17  }
0x69: {  	v16 =	vor.u32 s6, v1;
	v17 =	vld [tilespmem:s1+$0xFFFFFF90];
	_ =	sdelay $0x4  }
0x6a: {  	[tilespmem:v16+s16+$0x0] =	vst.idx.msk $0xffff, v17  }
0x6b: {  	v17 =	vor.u32 s6, v2;
	v16 =	vld [tilespmem:s1+$0xFFFFFFA0];
	_ =	sdelay $0x4  }
0x6c: {  	[tilespmem:v17+s16+$0x0] =	vst.idx.msk $0xffff, v16  }
0x6d: {  	v17 =	vor.u32 s6, v3;
	v16 =	vld [tilespmem:s1+$0xFFFFFFB0];
	_ =	sdelay $0x4  }
0x6e: {  	[tilespmem:v17+s16+$0x0] =	vst.idx.msk $0xffff, v16  }
0x6f: {  	v17 =	vor.u32 s6, v4;
	v16 =	vld [tilespmem:s1+$0xFFFFFFC0];
	_ =	sdelay $0x4  }
0x70: {  	[tilespmem:v17+s16+$0x0] =	vst.idx.msk $0xffff, v16  }
0x71: {  	v17 =	vor.u32 s6, v5;
	v16 =	vld [tilespmem:s1+$0xFFFFFFD0];
	_ =	sdelay $0x4  }
0x72: {  	[tilespmem:v17+s16+$0x0] =	vst.idx.msk $0xffff, v16  }
0x73: {  	v17 =	vor.u32 s6, v6;
	v16 =	vld [tilespmem:s1+$0xFFFFFFE0];
	_ =	sdelay $0x4  }
0x74: {  	[tilespmem:v17+s16+$0x0] =	vst.idx.msk $0xffff, v16  }
0x75: {  	v17 =	vor.u32 s6, v7;
	v16 =	vld [tilespmem:s1+$0xFFFFFFF0];
	_ =	sdelay $0x4  }
0x76: {  	[tilespmem:v17+s16+$0x0] =	vst.idx.msk $0xffff, v16  }
0x77: {  	v17 =	vor.u32 s6, v8;
	v16 =	vld [tilespmem:s1+$0x0];
	_ =	sdelay $0x4  }
0x78: {  	[tilespmem:v17+s16+$0x0] =	vst.idx.msk $0xffff, v16  }
0x79: {  	v17 =	vor.u32 s6, v9;
	v16 =	vld [tilespmem:s1+$0x10];
	_ =	sdelay $0x4  }
0x7a: {  	[tilespmem:v17+s16+$0x0] =	vst.idx.msk $0xffff, v16  }
0x7b: {  	v17 =	vor.u32 s6, v10;
	v16 =	vld [tilespmem:s1+$0x20];
	_ =	sdelay $0x4  }
0x7c: {  	[tilespmem:v17+s16+$0x0] =	vst.idx.msk $0xffff, v16  }
0x7d: {  	v17 =	vor.u32 s6, v11;
	v16 =	vld [tilespmem:s1+$0x30];
	_ =	sdelay $0x4  }
0x7e: {  	[tilespmem:v17+s16+$0x0] =	vst.idx.msk $0xffff, v16  }
0x7f: {  	v17 =	vor.u32 s6, v12;
	v16 =	vld [tilespmem:s1+$0x40];
	_ =	sdelay $0x4  }
0x80: {  	[tilespmem:v17+s16+$0x0] =	vst.idx.msk $0xffff, v16  }
0x81: {  	v17 =	vor.u32 s6, v13;
	v16 =	vld [tilespmem:s1+$0x50];
	_ =	sdelay $0x4  }
0x82: {  	[tilespmem:v17+s16+$0x0] =	vst.idx.msk $0xffff, v16  }
0x83: {  	v17 =	vor.u32 s6, v14;
	v16 =	vld [tilespmem:s1+$0x60];
	_ =	sdelay $0x4  }
0x84: {  	[tilespmem:v17+s16+$0x0] =	vst.idx.msk $0xffff, v16  }
0x85: {  	v17 =	vor.u32 s6, v15;
	v16 =	vld [tilespmem:s1+$0x70];
	_ =	sdelay $0x2  }
0x86: {  	s10 =	simm.s32 $0x8;
	s0 =	simm.s32 $0x40  }
0x87: {  	s13 =	simm.s32 $0x10;
	s10 =	sand.u32 $0x78, s10;
	s6 =	sand.u32 $0xC00, s0  }
.LBB2_3:
0x88: {  	p0 =	sne.s32 s13, $0x1F8;
	s6 =	sor.u32 s10, s6;
	[tilespmem:v17+s16+$0x0] =	vst.idx.msk $0xffff, v16;
	s1 =	sadd.s32 $0x100, s1  }
0x89: {  	v16 =	vor.u32 s6, v0;
	v17 =	vld [tilespmem:s1+$0xFFFFFF80];
	_ =	sdelay $0x4  }
0x8a: {  	[tilespmem:v16+s16+$0x0] =	vst.idx.msk $0xffff, v17  }
0x8b: {  	v16 =	vor.u32 s6, v1;
	v17 =	vld [tilespmem:s1+$0xFFFFFF90];
	_ =	sdelay $0x4  }
0x8c: {  	[tilespmem:v16+s16+$0x0] =	vst.idx.msk $0xffff, v17  }
0x8d: {  	v17 =	vor.u32 s6, v2;
	v16 =	vld [tilespmem:s1+$0xFFFFFFA0];
	_ =	sdelay $0x4  }
0x8e: {  	[tilespmem:v17+s16+$0x0] =	vst.idx.msk $0xffff, v16  }
0x8f: {  	v17 =	vor.u32 s6, v3;
	v16 =	vld [tilespmem:s1+$0xFFFFFFB0];
	_ =	sdelay $0x4  }
0x90: {  	[tilespmem:v17+s16+$0x0] =	vst.idx.msk $0xffff, v16  }
0x91: {  	v17 =	vor.u32 s6, v4;
	v16 =	vld [tilespmem:s1+$0xFFFFFFC0];
	_ =	sdelay $0x4  }
0x92: {  	[tilespmem:v17+s16+$0x0] =	vst.idx.msk $0xffff, v16  }
0x93: {  	v17 =	vor.u32 s6, v5;
	v16 =	vld [tilespmem:s1+$0xFFFFFFD0];
	_ =	sdelay $0x4  }
0x94: {  	[tilespmem:v17+s16+$0x0] =	vst.idx.msk $0xffff, v16  }
0x95: {  	v17 =	vor.u32 s6, v6;
	v16 =	vld [tilespmem:s1+$0xFFFFFFE0];
	_ =	sdelay $0x4  }
0x96: {  	[tilespmem:v17+s16+$0x0] =	vst.idx.msk $0xffff, v16  }
0x97: {  	v17 =	vor.u32 s6, v7;
	v16 =	vld [tilespmem:s1+$0xFFFFFFF0];
	_ =	sdelay $0x4  }
0x98: {  	[tilespmem:v17+s16+$0x0] =	vst.idx.msk $0xffff, v16  }
0x99: {  	v17 =	vor.u32 s6, v8;
	v16 =	vld [tilespmem:s1+$0x0];
	_ =	sdelay $0x4  }
0x9a: {  	[tilespmem:v17+s16+$0x0] =	vst.idx.msk $0xffff, v16  }
0x9b: {  	v17 =	vor.u32 s6, v9;
	v16 =	vld [tilespmem:s1+$0x10];
	_ =	sdelay $0x4  }
0x9c: {  	[tilespmem:v17+s16+$0x0] =	vst.idx.msk $0xffff, v16  }
0x9d: {  	v17 =	vor.u32 s6, v10;
	v16 =	vld [tilespmem:s1+$0x20];
	_ =	sdelay $0x4  }
0x9e: {  	[tilespmem:v17+s16+$0x0] =	vst.idx.msk $0xffff, v16  }
0x9f: {  	v17 =	vor.u32 s6, v11;
	v16 =	vld [tilespmem:s1+$0x30];
	_ =	sdelay $0x4  }
0xa0: {  	[tilespmem:v17+s16+$0x0] =	vst.idx.msk $0xffff, v16  }
0xa1: {  	v17 =	vor.u32 s6, v12;
	v16 =	vld [tilespmem:s1+$0x40];
	_ =	sdelay $0x4  }
0xa2: {  	[tilespmem:v17+s16+$0x0] =	vst.idx.msk $0xffff, v16  }
0xa3: {  	v17 =	vor.u32 s6, v13;
	v16 =	vld [tilespmem:s1+$0x50];
	_ =	sdelay $0x4  }
0xa4: {  	[tilespmem:v17+s16+$0x0] =	vst.idx.msk $0xffff, v16  }
0xa5: {  	v17 =	vor.u32 s6, v14;
	v16 =	vld [tilespmem:s1+$0x60];
	_ =	sdelay $0x4  }
0xa6: {  	[tilespmem:v17+s16+$0x0] =	vst.idx.msk $0xffff, v16  }
.Ltmp0:
0xa7: {  	v17 =	vor.u32 s6, v15;
	v16 =	vld [tilespmem:s1+$0x70];
	(pc) =	sbr.rel @p0 .LBB2_3-.Ltmp0, $3  }
0xa8: {  	_ =	sdelay $0x1  }
0xa9: {  	s0 =	sadd.s32 $0x40, s0  }
0xaa: {  	s10 =	sand.u32 $0x78, s13;
	s13 =	sadd.s32 $0x8, s13;
	s6 =	sand.u32 $0xC00, s0  }
0xab: {  	_ =	sdelay $0x3  }
0xac: {  	s0 =	sor.u32 s10, s6;
	[tilespmem:v17+s16+$0x0] =	vst.idx.msk $0xffff, v16;
	s1 =	sadd.s32 $0x100, s1  }
0xad: {  	v16 =	vor.u32 s0, v0;
	v17 =	vld [tilespmem:s1+$0xFFFFFF80];
	_ =	sdelay $0x4  }
0xae: {  	[tilespmem:v16+s16+$0x0] =	vst.idx.msk $0xffff, v17  }
0xaf: {  	v16 =	vor.u32 s0, v1;
	v17 =	vld [tilespmem:s1+$0xFFFFFF90];
	_ =	sdelay $0x4  }
0xb0: {  	[tilespmem:v16+s16+$0x0] =	vst.idx.msk $0xffff, v17  }
0xb1: {  	v17 =	vor.u32 s0, v2;
	v16 =	vld [tilespmem:s1+$0xFFFFFFA0];
	_ =	sdelay $0x4  }
0xb2: {  	[tilespmem:v17+s16+$0x0] =	vst.idx.msk $0xffff, v16  }
0xb3: {  	v17 =	vor.u32 s0, v3;
	v16 =	vld [tilespmem:s1+$0xFFFFFFB0];
	_ =	sdelay $0x4  }
0xb4: {  	[tilespmem:v17+s16+$0x0] =	vst.idx.msk $0xffff, v16  }
0xb5: {  	v17 =	vor.u32 s0, v4;
	v16 =	vld [tilespmem:s1+$0xFFFFFFC0];
	_ =	sdelay $0x4  }
0xb6: {  	[tilespmem:v17+s16+$0x0] =	vst.idx.msk $0xffff, v16  }
0xb7: {  	v17 =	vor.u32 s0, v5;
	v16 =	vld [tilespmem:s1+$0xFFFFFFD0];
	_ =	sdelay $0x4  }
0xb8: {  	[tilespmem:v17+s16+$0x0] =	vst.idx.msk $0xffff, v16  }
0xb9: {  	v17 =	vor.u32 s0, v6;
	v16 =	vld [tilespmem:s1+$0xFFFFFFE0];
	_ =	sdelay $0x4  }
0xba: {  	[tilespmem:v17+s16+$0x0] =	vst.idx.msk $0xffff, v16  }
0xbb: {  	v17 =	vor.u32 s0, v7;
	v16 =	vld [tilespmem:s1+$0xFFFFFFF0];
	_ =	sdelay $0x4  }
0xbc: {  	[tilespmem:v17+s16+$0x0] =	vst.idx.msk $0xffff, v16  }
0xbd: {  	v17 =	vor.u32 s0, v8;
	v16 =	vld [tilespmem:s1+$0x0];
	_ =	sdelay $0x4  }
0xbe: {  	[tilespmem:v17+s16+$0x0] =	vst.idx.msk $0xffff, v16  }
0xbf: {  	v17 =	vor.u32 s0, v9;
	v16 =	vld [tilespmem:s1+$0x10];
	_ =	sdelay $0x4  }
0xc0: {  	[tilespmem:v17+s16+$0x0] =	vst.idx.msk $0xffff, v16  }
0xc1: {  	v17 =	vor.u32 s0, v10;
	v16 =	vld [tilespmem:s1+$0x20];
	_ =	sdelay $0x4  }
0xc2: {  	[tilespmem:v17+s16+$0x0] =	vst.idx.msk $0xffff, v16  }
0xc3: {  	v17 =	vor.u32 s0, v11;
	v16 =	vld [tilespmem:s1+$0x30];
	_ =	sdelay $0x4  }
0xc4: {  	[tilespmem:v17+s16+$0x0] =	vst.idx.msk $0xffff, v16  }
0xc5: {  	v17 =	vor.u32 s0, v12;
	v16 =	vld [tilespmem:s1+$0x40];
	_ =	sdelay $0x4  }
0xc6: {  	[tilespmem:v17+s16+$0x0] =	vst.idx.msk $0xffff, v16  }
0xc7: {  	v17 =	vor.u32 s0, v13;
	v16 =	vld [tilespmem:s1+$0x50];
	_ =	sdelay $0x4  }
0xc8: {  	[tilespmem:v17+s16+$0x0] =	vst.idx.msk $0xffff, v16  }
0xc9: {  	v17 =	vor.u32 s0, v14;
	v16 =	vld [tilespmem:s1+$0x60];
	_ =	sdelay $0x4  }
0xca: {  	[tilespmem:v17+s16+$0x0] =	vst.idx.msk $0xffff, v16  }
0xcb: {  	v17 =	vor.u32 s0, v15;
	v16 =	vld [tilespmem:s1+$0x70];
	_ =	sdelay $0x3  }
0xcc: {  	p0 =	seq.s32 s29, $0x0  }
0xcd: {  	s0 =	simm.s32 @!p0 $0x4;
	[tilespmem:v17+s16+$0x0] =	vst.idx.msk $0xffff, v16  }
0xce: {  	_ =	swait.ge @!p0 [sflag:s0], $0x1000  }
0xcf: {  	[sflag:s0] =	ssyncset.done @!p0 $0x0  }
0xd0: {  	[sflag:s0] =	ssyncadd.s32 @!p0 $0xFFFFF000  }
0xd1: {  	_ =	swait.ge @!p0 [sflag:s0], $0x1000  }
0xd2: {  	[sflag:s0] =	ssyncset.done @!p0 $0x0  }
0xd3: {  	[sflag:s0] =	ssyncadd.s32 @!p0 $0xFFFFF000  }
0xd4: {  	_ =	swait.ge @!p0 [sflag:s0], $0x1000  }
0xd5: {  	s13 =	sadd.s32 s3, s31;
	[sflag:s0] =	ssyncset.done @!p0 $0x0  }
0xd6: {  	s31 =	sshll.u32 s13, $0x2;
	[sflag:s0] =	ssyncadd.s32 @!p0 $0xFFFFF000  }
0xd7: {  	s6 =	sand.u32 $0x7FFF0000, s31;
	s1 =	sand.u32 $0x3C00, s13;
	_ =	swait.ge @!p0 [sflag:s0], $0x1000  }
0xd8: {  	s1 =	sor.u32 s1, s6;
	[sflag:s0] =	ssyncset.done @!p0 $0x0  }
0xd9: {  	s10 =	sadd.s32 s2, s1;
	[sflag:s0] =	ssyncadd.s32 @!p0 $0xFFFFF000  }
0xda: {  	[hbm4b:s10+s4] =	stream.linear.scatter [tilespmem:s16], [sflag:$0x3], $0x1000, $0x38;
	[tilespmem:$0x13400] =	vst v63  }
0xdb: {  	s13 =	sadd.s32 s1, s7  }
0xdc: {  	[hbm4b:s13+s4] =	stream.linear.scatter [tilespmem:s17], [sflag:$0x3], $0x1000, $0x38;
	[tilespmem:$0x13400] =	vst v63  }
0xdd: {  	s31 =	sadd.s32 s1, s8  }
0xde: {  	[hbm4b:s31+s4] =	stream.linear.scatter [tilespmem:s18], [sflag:$0x3], $0x1000, $0x38;
	[tilespmem:$0x13400] =	vst v63  }
0xdf: {  	s6 =	sadd.s32 s1, s9;
	p0 =	seq.s32 s29, $0xC  }
0xe0: {  	[hbm4b:s6+s4] =	stream.linear.scatter [tilespmem:s19], [sflag:$0x3], $0x1000, $0x38;
	[tilespmem:$0x13400] =	vst v63  }
0xe1: {  	s0 =	sshll.u32 @!p0 s29, $0xA;
	s1 =	simm.s32 @!p0 $0x200;
	_ =	swait.ge [sflag:s20], $0x4000  }
0xe2: {  	s10 =	simm.s32 $0x0;
	s0 =	sand.u32 @!p0 $0x3FFFFC00, s0;
	[sflag:s20] =	ssyncset.done $0x0  }
0xe3: {  	s0 =	sadd.s32 @!p0 $0x400, s0;
	s6 =	simm.s32 @!p0 $0x3400;
	[sflag:s20] =	ssyncadd.s32 $0xFFFFC000  }
0xe4: {  	[tilespmem:s6], [sflag:$0x1] =	stream.indirect.gather @!p0 [hbm4b:s5+s1], $0x20, s0, s1, $0xb8;
	[tilespmem:$0x13400] =	vst v63  }
0xe5: {  	s13 =	sand.u32 $0xC00, s10;
	s0 =	sand.u32 $0x78, s10  }
0xe6: {  	s1 =	simm.s32 $0x7480;
	s6 =	sor.u32 s0, s13  }
0xe7: {  	v17 =	vld [tilespmem:s1+$0xFFFFFF80];
	v16 =	vor.u32 s6, v0;
	_ =	sdelay $0x4  }
0xe8: {  	[tilespmem:v16+s21+$0x0] =	vst.idx.msk $0xffff, v17  }
0xe9: {  	v16 =	vor.u32 s6, v1;
	v17 =	vld [tilespmem:s1+$0xFFFFFF90];
	_ =	sdelay $0x4  }
0xea: {  	[tilespmem:v16+s21+$0x0] =	vst.idx.msk $0xffff, v17  }
0xeb: {  	v17 =	vor.u32 s6, v2;
	v16 =	vld [tilespmem:s1+$0xFFFFFFA0];
	_ =	sdelay $0x4  }
0xec: {  	[tilespmem:v17+s21+$0x0] =	vst.idx.msk $0xffff, v16  }
0xed: {  	v17 =	vor.u32 s6, v3;
	v16 =	vld [tilespmem:s1+$0xFFFFFFB0];
	_ =	sdelay $0x4  }
0xee: {  	[tilespmem:v17+s21+$0x0] =	vst.idx.msk $0xffff, v16  }
0xef: {  	v17 =	vor.u32 s6, v4;
	v16 =	vld [tilespmem:s1+$0xFFFFFFC0];
	_ =	sdelay $0x4  }
0xf0: {  	[tilespmem:v17+s21+$0x0] =	vst.idx.msk $0xffff, v16  }
0xf1: {  	v17 =	vor.u32 s6, v5;
	v16 =	vld [tilespmem:s1+$0xFFFFFFD0];
	_ =	sdelay $0x4  }
0xf2: {  	[tilespmem:v17+s21+$0x0] =	vst.idx.msk $0xffff, v16  }
0xf3: {  	v17 =	vor.u32 s6, v6;
	v16 =	vld [tilespmem:s1+$0xFFFFFFE0];
	_ =	sdelay $0x4  }
0xf4: {  	[tilespmem:v17+s21+$0x0] =	vst.idx.msk $0xffff, v16  }
0xf5: {  	v17 =	vor.u32 s6, v7;
	v16 =	vld [tilespmem:s1+$0xFFFFFFF0];
	_ =	sdelay $0x4  }
0xf6: {  	[tilespmem:v17+s21+$0x0] =	vst.idx.msk $0xffff, v16  }
0xf7: {  	v17 =	vor.u32 s6, v8;
	v16 =	vld [tilespmem:s1+$0x0];
	_ =	sdelay $0x4  }
0xf8: {  	[tilespmem:v17+s21+$0x0] =	vst.idx.msk $0xffff, v16  }
0xf9: {  	v17 =	vor.u32 s6, v9;
	v16 =	vld [tilespmem:s1+$0x10];
	_ =	sdelay $0x4  }
0xfa: {  	[tilespmem:v17+s21+$0x0] =	vst.idx.msk $0xffff, v16  }
0xfb: {  	v17 =	vor.u32 s6, v10;
	v16 =	vld [tilespmem:s1+$0x20];
	_ =	sdelay $0x4  }
0xfc: {  	[tilespmem:v17+s21+$0x0] =	vst.idx.msk $0xffff, v16  }
0xfd: {  	v17 =	vor.u32 s6, v11;
	v16 =	vld [tilespmem:s1+$0x30];
	_ =	sdelay $0x4  }
0xfe: {  	[tilespmem:v17+s21+$0x0] =	vst.idx.msk $0xffff, v16  }
0xff: {  	v17 =	vor.u32 s6, v12;
	v16 =	vld [tilespmem:s1+$0x40];
	_ =	sdelay $0x4  }
0x100: {  	[tilespmem:v17+s21+$0x0] =	vst.idx.msk $0xffff, v16  }
0x101: {  	v17 =	vor.u32 s6, v13;
	v16 =	vld [tilespmem:s1+$0x50];
	_ =	sdelay $0x4  }
0x102: {  	[tilespmem:v17+s21+$0x0] =	vst.idx.msk $0xffff, v16  }
0x103: {  	v17 =	vor.u32 s6, v14;
	v16 =	vld [tilespmem:s1+$0x60];
	_ =	sdelay $0x4  }
0x104: {  	[tilespmem:v17+s21+$0x0] =	vst.idx.msk $0xffff, v16  }
0x105: {  	v17 =	vor.u32 s6, v15;
	v16 =	vld [tilespmem:s1+$0x70];
	_ =	sdelay $0x2  }
0x106: {  	s31 =	simm.s32 $0x8;
	s0 =	simm.s32 $0x40  }
0x107: {  	s10 =	sand.u32 $0x78, s31;
	s13 =	simm.s32 $0x10;
	s6 =	sand.u32 $0xC00, s0  }
.LBB2_5:
0x108: {  	p0 =	sne.s32 s13, $0x1F8;
	s6 =	sor.u32 s10, s6;
	[tilespmem:v17+s21+$0x0] =	vst.idx.msk $0xffff, v16;
	s1 =	sadd.s32 $0x100, s1  }
0x109: {  	v16 =	vor.u32 s6, v0;
	v17 =	vld [tilespmem:s1+$0xFFFFFF80];
	_ =	sdelay $0x4  }
0x10a: {  	[tilespmem:v16+s21+$0x0] =	vst.idx.msk $0xffff, v17  }
0x10b: {  	v16 =	vor.u32 s6, v1;
	v17 =	vld [tilespmem:s1+$0xFFFFFF90];
	_ =	sdelay $0x4  }
0x10c: {  	[tilespmem:v16+s21+$0x0] =	vst.idx.msk $0xffff, v17  }
0x10d: {  	v17 =	vor.u32 s6, v2;
	v16 =	vld [tilespmem:s1+$0xFFFFFFA0];
	_ =	sdelay $0x4  }
0x10e: {  	[tilespmem:v17+s21+$0x0] =	vst.idx.msk $0xffff, v16  }
0x10f: {  	v17 =	vor.u32 s6, v3;
	v16 =	vld [tilespmem:s1+$0xFFFFFFB0];
	_ =	sdelay $0x4  }
0x110: {  	[tilespmem:v17+s21+$0x0] =	vst.idx.msk $0xffff, v16  }
0x111: {  	v17 =	vor.u32 s6, v4;
	v16 =	vld [tilespmem:s1+$0xFFFFFFC0];
	_ =	sdelay $0x4  }
0x112: {  	[tilespmem:v17+s21+$0x0] =	vst.idx.msk $0xffff, v16  }
0x113: {  	v17 =	vor.u32 s6, v5;
	v16 =	vld [tilespmem:s1+$0xFFFFFFD0];
	_ =	sdelay $0x4  }
0x114: {  	[tilespmem:v17+s21+$0x0] =	vst.idx.msk $0xffff, v16  }
0x115: {  	v17 =	vor.u32 s6, v6;
	v16 =	vld [tilespmem:s1+$0xFFFFFFE0];
	_ =	sdelay $0x4  }
0x116: {  	[tilespmem:v17+s21+$0x0] =	vst.idx.msk $0xffff, v16  }
0x117: {  	v17 =	vor.u32 s6, v7;
	v16 =	vld [tilespmem:s1+$0xFFFFFFF0];
	_ =	sdelay $0x4  }
0x118: {  	[tilespmem:v17+s21+$0x0] =	vst.idx.msk $0xffff, v16  }
0x119: {  	v17 =	vor.u32 s6, v8;
	v16 =	vld [tilespmem:s1+$0x0];
	_ =	sdelay $0x4  }
0x11a: {  	[tilespmem:v17+s21+$0x0] =	vst.idx.msk $0xffff, v16  }
0x11b: {  	v17 =	vor.u32 s6, v9;
	v16 =	vld [tilespmem:s1+$0x10];
	_ =	sdelay $0x4  }
0x11c: {  	[tilespmem:v17+s21+$0x0] =	vst.idx.msk $0xffff, v16  }
0x11d: {  	v17 =	vor.u32 s6, v10;
	v16 =	vld [tilespmem:s1+$0x20];
	_ =	sdelay $0x4  }
0x11e: {  	[tilespmem:v17+s21+$0x0] =	vst.idx.msk $0xffff, v16  }
0x11f: {  	v17 =	vor.u32 s6, v11;
	v16 =	vld [tilespmem:s1+$0x30];
	_ =	sdelay $0x4  }
0x120: {  	[tilespmem:v17+s21+$0x0] =	vst.idx.msk $0xffff, v16  }
0x121: {  	v17 =	vor.u32 s6, v12;
	v16 =	vld [tilespmem:s1+$0x40];
	_ =	sdelay $0x4  }
0x122: {  	[tilespmem:v17+s21+$0x0] =	vst.idx.msk $0xffff, v16  }
0x123: {  	v17 =	vor.u32 s6, v13;
	v16 =	vld [tilespmem:s1+$0x50];
	_ =	sdelay $0x4  }
0x124: {  	[tilespmem:v17+s21+$0x0] =	vst.idx.msk $0xffff, v16  }
0x125: {  	v17 =	vor.u32 s6, v14;
	v16 =	vld [tilespmem:s1+$0x60];
	_ =	sdelay $0x4  }
0x126: {  	[tilespmem:v17+s21+$0x0] =	vst.idx.msk $0xffff, v16  }
.Ltmp1:
0x127: {  	v17 =	vor.u32 s6, v15;
	v16 =	vld [tilespmem:s1+$0x70];
	(pc) =	sbr.rel @p0 .LBB2_5-.Ltmp1, $3  }
0x128: {  	_ =	sdelay $0x1  }
0x129: {  	s0 =	sadd.s32 $0x40, s0  }
0x12a: {  	s10 =	sand.u32 $0x78, s13;
	s13 =	sadd.s32 $0x8, s13;
	s6 =	sand.u32 $0xC00, s0  }
0x12b: {  	_ =	sdelay $0x3  }
0x12c: {  	s0 =	sor.u32 s10, s6;
	[tilespmem:v17+s21+$0x0] =	vst.idx.msk $0xffff, v16;
	s1 =	sadd.s32 $0x100, s1  }
0x12d: {  	v16 =	vor.u32 s0, v0;
	v17 =	vld [tilespmem:s1+$0xFFFFFF80];
	_ =	sdelay $0x4  }
0x12e: {  	[tilespmem:v16+s21+$0x0] =	vst.idx.msk $0xffff, v17  }
0x12f: {  	v16 =	vor.u32 s0, v1;
	v17 =	vld [tilespmem:s1+$0xFFFFFF90];
	_ =	sdelay $0x4  }
0x130: {  	[tilespmem:v16+s21+$0x0] =	vst.idx.msk $0xffff, v17  }
0x131: {  	v17 =	vor.u32 s0, v2;
	v16 =	vld [tilespmem:s1+$0xFFFFFFA0];
	_ =	sdelay $0x4  }
0x132: {  	[tilespmem:v17+s21+$0x0] =	vst.idx.msk $0xffff, v16  }
0x133: {  	v17 =	vor.u32 s0, v3;
	v16 =	vld [tilespmem:s1+$0xFFFFFFB0];
	_ =	sdelay $0x4  }
0x134: {  	[tilespmem:v17+s21+$0x0] =	vst.idx.msk $0xffff, v16  }
0x135: {  	v17 =	vor.u32 s0, v4;
	v16 =	vld [tilespmem:s1+$0xFFFFFFC0];
	_ =	sdelay $0x4  }
0x136: {  	[tilespmem:v17+s21+$0x0] =	vst.idx.msk $0xffff, v16  }
0x137: {  	v17 =	vor.u32 s0, v5;
	v16 =	vld [tilespmem:s1+$0xFFFFFFD0];
	_ =	sdelay $0x4  }
0x138: {  	[tilespmem:v17+s21+$0x0] =	vst.idx.msk $0xffff, v16  }
0x139: {  	v17 =	vor.u32 s0, v6;
	v16 =	vld [tilespmem:s1+$0xFFFFFFE0];
	_ =	sdelay $0x4  }
0x13a: {  	[tilespmem:v17+s21+$0x0] =	vst.idx.msk $0xffff, v16  }
0x13b: {  	v17 =	vor.u32 s0, v7;
	v16 =	vld [tilespmem:s1+$0xFFFFFFF0];
	_ =	sdelay $0x4  }
0x13c: {  	[tilespmem:v17+s21+$0x0] =	vst.idx.msk $0xffff, v16  }
0x13d: {  	v17 =	vor.u32 s0, v8;
	v16 =	vld [tilespmem:s1+$0x0];
	_ =	sdelay $0x4  }
0x13e: {  	[tilespmem:v17+s21+$0x0] =	vst.idx.msk $0xffff, v16  }
0x13f: {  	v17 =	vor.u32 s0, v9;
	v16 =	vld [tilespmem:s1+$0x10];
	_ =	sdelay $0x4  }
0x140: {  	[tilespmem:v17+s21+$0x0] =	vst.idx.msk $0xffff, v16  }
0x141: {  	v17 =	vor.u32 s0, v10;
	v16 =	vld [tilespmem:s1+$0x20];
	_ =	sdelay $0x4  }
0x142: {  	[tilespmem:v17+s21+$0x0] =	vst.idx.msk $0xffff, v16  }
0x143: {  	v17 =	vor.u32 s0, v11;
	v16 =	vld [tilespmem:s1+$0x30];
	_ =	sdelay $0x4  }
0x144: {  	[tilespmem:v17+s21+$0x0] =	vst.idx.msk $0xffff, v16  }
0x145: {  	v17 =	vor.u32 s0, v12;
	v16 =	vld [tilespmem:s1+$0x40];
	_ =	sdelay $0x4  }
0x146: {  	[tilespmem:v17+s21+$0x0] =	vst.idx.msk $0xffff, v16  }
0x147: {  	v17 =	vor.u32 s0, v13;
	v16 =	vld [tilespmem:s1+$0x50];
	_ =	sdelay $0x4  }
0x148: {  	[tilespmem:v17+s21+$0x0] =	vst.idx.msk $0xffff, v16  }
0x149: {  	v17 =	vor.u32 s0, v14;
	v16 =	vld [tilespmem:s1+$0x60];
	_ =	sdelay $0x4  }
0x14a: {  	[tilespmem:v17+s21+$0x0] =	vst.idx.msk $0xffff, v16  }
0x14b: {  	v17 =	vor.u32 s0, v15;
	v16 =	vld [tilespmem:s1+$0x70];
	_ =	sdelay $0x4  }
0x14c: {  	[tilespmem:v17+s21+$0x0] =	vst.idx.msk $0xffff, v16  }
0x14d: {  	_ =	swait.ge [sflag:s22], $0x1000  }
0x14e: {  	[sflag:s22] =	ssyncset.done $0x0  }
0x14f: {  	[sflag:s22] =	ssyncadd.s32 $0xFFFFF000  }
0x150: {  	_ =	swait.ge [sflag:s22], $0x1000  }
0x151: {  	[sflag:s22] =	ssyncset.done $0x0  }
0x152: {  	[sflag:s22] =	ssyncadd.s32 $0xFFFFF000  }
0x153: {  	_ =	swait.ge [sflag:s22], $0x1000  }
0x154: {  	s10 =	sadd.s32 s3, s30;
	[sflag:s22] =	ssyncset.done $0x0  }
0x155: {  	s13 =	sshll.u32 s10, $0x2;
	[sflag:s22] =	ssyncadd.s32 $0xFFFFF000  }
0x156: {  	s0 =	sand.u32 $0x3E00, s10;
	s1 =	sand.u32 $0x7FFF0000, s13;
	_ =	swait.ge [sflag:s22], $0x1000  }
0x157: {  	s0 =	sor.u32 s0, s1;
	[sflag:s22] =	ssyncset.done $0x0  }
0x158: {  	s29 =	sadd.s32 $0x1, s29;
	s1 =	sadd.s32 s2, s0;
	[sflag:s22] =	ssyncadd.s32 $0xFFFFF000  }
0x159: {  	[hbm4b:s1+s4] =	stream.linear.scatter [tilespmem:s21], [sflag:$0x4], $0x1000, $0x38;
	[tilespmem:$0x13400] =	vst v63  }
0x15a: {  	p0 =	sne.s32 s29, $0xD;
	s30 =	sadd.s32 s0, s7  }
0x15b: {  	[hbm4b:s30+s4] =	stream.linear.scatter [tilespmem:s23], [sflag:$0x4], $0x1000, $0x38;
	[tilespmem:$0x13400] =	vst v63  }
.Ltmp2:
0x15c: {  	_ = 	snop;
	(pc) =	sbr.rel @p0 .LBB2_2-.Ltmp2, $4  }
0x15d: {  	s31 =	sadd.s32 s0, s8  }
0x15e: {  	[hbm4b:s31+s4] =	stream.linear.scatter [tilespmem:s24], [sflag:$0x4], $0x1000, $0x38;
	[tilespmem:$0x13400] =	vst v63  }
0x15f: {  	s0 =	sadd.s32 s0, s9  }
0x160: {  	[hbm4b:s0+s4] =	stream.linear.scatter [tilespmem:s25], [sflag:$0x4], $0x1000, $0x38;
	[tilespmem:$0x13400] =	vst v63  }
0x161: {  	_ =	swait.ge [sflag:s26], $0x1000  }
0x162: {  	[sflag:s26] =	ssyncset.done $0x0  }
0x163: {  	[sflag:s26] =	ssyncadd.s32 $0xFFFFF000  }
0x164: {  	_ =	swait.ge [sflag:s26], $0x1000  }
0x165: {  	[sflag:s26] =	ssyncset.done $0x0  }
0x166: {  	[sflag:s26] =	ssyncadd.s32 $0xFFFFF000  }
0x167: {  	_ =	swait.ge [sflag:s26], $0x1000  }
0x168: {  	[sflag:s26] =	ssyncset.done $0x0  }
0x169: {  	[sflag:s26] =	ssyncadd.s32 $0xFFFFF000  }
0x16a: {  	_ =	swait.ge [sflag:s26], $0x1000  }
0x16b: {  	s28 =	sadd.s32 $0x1, s28;
	s0 =	rddreg [dreg:$0x4]  }
0x16c: {  	p0 =	sne.s32 s28, s0  }
.Ltmp3:
0x16d: {  	_ = 	snop;
	(pc) =	sbr.rel @p0 .LBB2_1-.Ltmp3, $3  }
0x16e: {  	_ =	sdelay $0x1  }
0x16f: {  	[sflag:s26] =	ssyncset.done $0x0  }
0x170: {  	[sflag:s26] =	ssyncadd.s32 $0xFFFFF000  }
0x171: {  	_ =	sfence.sel $0x180000  }
0x172: {  	[bflag:$0x0] =	sbarrier.arrive $0xFFFF  }
0x173: {  	_ =	strace $0x90000047  }
0x174: {  	s0 =	stileid.u32;
	[bflag:$0x2] =	sbarrier.arrive $0xFFFF  }
0x175: {  	p0 =	sne.s32 s0, $0x0;
	s0 =	rddreg [dreg:$0x2]  }
0x176: {  	s0 =	sadd.s32 @!p0 $0x100000, s0  }
0x177: {  	[sflag:s0] =	ssyncadd.tile.s32 @!p0 $0x1;
	_ =	shalt  }
.Lfunc_end2:
_tile_overlayer_lowered:
.L_overlay_start_2:
0x178: {  	(tag) =	ssettag $0x2  }
0x179: {  	s0 =	rddreg [dreg:$0x0];
	s2 =	stileid.u32  }
0x17a: {  	s1 =	rddreg [dreg:$0x1];
	p0 =	sne.s32 s2, $0x0  }
0x17b: {  	s3 =	rddreg [dreg:$0x2];
	[bflag:$0x3] =	sbarrier.arrive $0xFFFF;
	s2 =	simm.s32 @!p0 $0x1C05  }
0x17c: {  	[timem:s3], [sflag:s2] =	dma.local @!p0 [hbm:s0], s1  }
0x17d: {  	s0 =	simm.s32 @!p0 $0x5  }
0x17e: {  	_ =	swait.ge @!p0 [sflag:s0], s1  }
0x17f: {  	s1 =	ssub.s32 @!p0 $0x0, s1;
	[sflag:s0] =	ssyncset.done @!p0 $0x0  }
0x180: {  	[sflag:s0] =	ssyncadd.s32 @!p0 s1  }
0x181: {  	[bflag:$0x3] =	sbarrier.arrive $0xFFFF  }
0x182: {  	_ =	shalt  }

</sc_bundles>
